<compile_context>
chip_gen: v7x
topology: tpu7x:2x2x1
jax: 0.10.2.dev20260603
libtpu: 0.0.44.dev20260713+nightly
codegen_flags: <defaults>
</compile_context>

<pallas_src>
import functools

import jax
import jax.numpy as jnp
from jax import lax
from jax.experimental import pallas as pl
from jax.experimental.pallas import tpu as pltpu
from jax.experimental.pallas import tpu_sc as plsc

NUM_CLASSES = 2
TOP_K = 750
NMS_THRESH = 0.3
CONF_THRESH = 0.05
NMS_TOP_K = 5000
NUM_PRIORS = 20000

_N = 20480
_NS = 16
_SH = _N // _NS
_CH = _SH // 16
_ROWS_PAD = 768
_RPT = _ROWS_PAD // _NS


_BIS0 = 0
_WIN0 = 32
_ARENA_ROWS = 64


def _sc_body(loc_h, sc_h, pr_h, out_h,
             l0, l1, l2, l3, p0, p1, p2, p3,
             x1r, y1r, x2r, y2r, arr, scv,
             wall_f, cnt_all, vtmp_f, rows_loc,
             arena):
    f32 = jnp.float32
    i32 = jnp.int32
    c = lax.axis_index("c")
    s = lax.axis_index("s")
    base = s * _SH
    i16 = lax.iota(i32, 16)

    def _zr(i, carry):
        rows_loc[i] = jnp.zeros((16,), f32)
        return carry

    lax.fori_loop(0, _ROWS_PAD, _zr, 0)

    for k, dst in enumerate((l0, l1, l2, l3)):
        pltpu.sync_copy(loc_h.at[c, k, pl.ds(base, _SH)], dst)
    for k, dst in enumerate((p0, p1, p2, p3)):
        pltpu.sync_copy(pr_h.at[k, pl.ds(base, _SH)], dst)
    pltpu.sync_copy(sc_h.at[c, pl.ds(base, _SH)], scv)

    def _dec(i, carry):
        sl = pl.ds(i * 16, 16)
        ll0 = l0[sl]
        ll1 = l1[sl]
        ll2 = l2[sl]
        ll3 = l3[sl]
        pcx = p0[sl]
        pcy = p1[sl]
        pw = p2[sl]
        ph = p3[sl]
        cx = pcx + (ll0 * f32(0.1)) * pw
        cy = pcy + (ll1 * f32(0.1)) * ph
        w = pw * jnp.exp(ll2 * f32(0.2))
        h = ph * jnp.exp(ll3 * f32(0.2))
        x1 = cx + (-(w / f32(2.0)))
        y1 = cy + (-(h / f32(2.0)))
        x2 = w + x1
        y2 = h + y1
        x1r[sl] = x1
        y1r[sl] = y1
        x2r[sl] = x2
        y2r[sl] = y2
        arr[sl] = (x2 - x1) * (y2 - y1)
        v = scv[sl]
        scv[sl] = jnp.where(v > f32(CONF_THRESH), v, f32(-1.0))
        return carry

    lax.fori_loop(0, _CH, _dec, 0)

    def _gsum(acc, slot):
        vtmp_f[...] = acc.astype(f32)
        pltpu.sync_copy(vtmp_f, arena.at[_BIS0 + slot * _NS + s])
        plsc.subcore_barrier()
        pltpu.sync_copy(arena.at[pl.ds(_BIS0 + slot * _NS, _NS)], cnt_all)
        tot = jnp.zeros((16,), f32)
        for r in range(_NS):
            tot = tot + cnt_all[r]
        return tot

    def _cnt_gt(thr):
        def cb(i, acc):
            v = scv[pl.ds(i * 16, 16)]
            return acc + plsc.all_reduce_population_count(v > thr)
        return lax.fori_loop(0, _CH, cb, jnp.zeros((16,), i32))

    def _bs_val(it, lohi):
        lo, hi = lohi
        mid = lo + (hi - lo) * f32(0.5)
        tot = _gsum(_cnt_gt(mid), it & 1)
        pred = tot < f32(NMS_TOP_K)
        return (jnp.where(pred, lo, mid), jnp.where(pred, mid, hi))

    zf = jnp.zeros((16,), f32)
    _, tval = lax.fori_loop(0, 48, _bs_val, (zf, zf + f32(1.0)))
    c_gt = _gsum(_cnt_gt(tval), 1)
    r_take = f32(NMS_TOP_K) - c_gt

    def _cnt_idx(bnd):
        def cb(i, acc):
            v = scv[pl.ds(i * 16, 16)]
            gidx = base + i * 16 + i16
            hit = (v == tval) & (gidx >= bnd)
            return acc + plsc.all_reduce_population_count(hit)
        return lax.fori_loop(0, _CH, cb, jnp.zeros((16,), i32))

    def _bs_idx(it, lohi):
        lo, hi = lohi
        mid = lo + (hi - lo) // 2
        tot = _gsum(_cnt_idx(mid), it & 1)
        pred = tot <= r_take
        return (jnp.where(pred, lo, mid + 1), jnp.where(pred, mid, hi))

    zi = jnp.zeros((16,), i32)
    _, bnd = lax.fori_loop(0, 16, _bs_idx, (zi, zi + i32(_N)))

    def _pw(i, carry):
        sl = pl.ds(i * 16, 16)
        v = scv[sl]
        gidx = base + i * 16 + i16
        part = (v > tval) | ((v == tval) & (gidx >= bnd))
        scv[sl] = jnp.where(part, v, f32(-1.0))
        return carry

    lax.fori_loop(0, _CH, _pw, 0)

    def _cond(st):
        return st[2]

    def _body(st):
        t, it, _ = st

        def _sel(i, carry):
            bsc, bpos = carry
            v = scv[pl.ds(i * 16, 16)]
            pos = i * 16 + i16
            better = v >= bsc
            return (jnp.where(better, v, bsc), jnp.where(better, pos, bpos))

        bsc, bpos = lax.fori_loop(
            0, _CH, _sel,
            (jnp.full((16,), -2.0, f32), jnp.zeros((16,), i32)))
        m = f32(-2.0)
        jloc = i32(0)
        for r in range(16):
            vr = bsc[r]
            pr = bpos[r]
            better = (vr > m) | ((vr == m) & (pr > jloc))
            m = jnp.where(better, vr, m)
            jloc = jnp.where(better, pr, jloc)
        jv = jnp.zeros((16,), i32) + jloc
        gx1 = plsc.load_gather(x1r, [jv])
        gy1 = plsc.load_gather(y1r, [jv])
        gx2 = plsc.load_gather(x2r, [jv])
        gy2 = plsc.load_gather(y2r, [jv])
        gar = plsc.load_gather(arr, [jv])
        rec = jnp.where(i16 == 0, m,
              jnp.where(i16 == 1, gx1,
              jnp.where(i16 == 2, gy1,
              jnp.where(i16 == 3, gx2,
              jnp.where(i16 == 4, gy2,
              jnp.where(i16 == 5, gar, f32(0.0)))))))
        vtmp_f[...] = rec
        pltpu.sync_copy(vtmp_f, arena.at[_WIN0 + (it & 1) * _NS + s])
        plsc.subcore_barrier()
        pltpu.sync_copy(arena.at[pl.ds(_WIN0 + (it & 1) * _NS, _NS)], wall_f)
        m2 = f32(-2.0)
        w = i32(0)
        for r in range(16):
            vr = wall_f[r][0]
            better = vr >= m2
            m2 = jnp.where(better, vr, m2)
            w = jnp.where(better, i32(r), w)
        picked = m2 > f32(0.0)
        wv = jnp.zeros((16,), i32) + w
        wrow = plsc.load_gather(wall_f, [wv, i16])
        px1 = wrow[1]
        py1 = wrow[2]
        px2 = wrow[3]
        py2 = wrow[4]
        par = wrow[5]

        @pl.when(picked)
        def _():
            rows_loc[t] = jnp.where(i16 == 0, m2,
                          jnp.where(i16 == 1, px1,
                          jnp.where(i16 == 2, py1,
                          jnp.where(i16 == 3, px2,
                          jnp.where(i16 == 4, py2, f32(0.0))))))

        @pl.when(picked)
        def _():
            def _sup(i, carry):
                sl = pl.ds(i * 16, 16)
                v = scv[sl]
                xx1 = jnp.maximum(x1r[sl], px1)
                yy1 = jnp.maximum(y1r[sl], py1)
                xx2 = jnp.minimum(x2r[sl], px2)
                yy2 = jnp.minimum(y2r[sl], py2)
                ww = jnp.maximum(xx2 - xx1, f32(0.0))
                hh = jnp.maximum(yy2 - yy1, f32(0.0))
                inter = ww * hh
                union = arr[sl] - inter + par
                iou = inter / union
                scv[sl] = jnp.where(iou <= f32(NMS_THRESH), v, f32(-1.0))
                return carry

            lax.fori_loop(0, _CH, _sup, 0)

        t1 = jnp.where(picked, t + 1, t)
        go = picked & (t1 < TOP_K)
        return (t1, it + 1, go)

    lax.while_loop(_cond, _body, (i32(0), i32(0), jnp.bool_(True)))

    pltpu.sync_copy(rows_loc.at[pl.ds(s * _RPT, _RPT)],
                    out_h.at[c, pl.ds(s * _RPT, _RPT)])


@jax.jit
def kernel(loc_data, conf_data, prior_data):
    num = loc_data.shape[0]
    pad = _N - NUM_PRIORS
    loc_r = jnp.pad(loc_data.transpose(0, 2, 1), ((0, 0), (0, 0), (0, pad)))
    sc_r = jnp.pad(
        conf_data.reshape(num, NUM_PRIORS, NUM_CLASSES)[:, :, 1],
        ((0, 0), (0, pad)))
    pr_r = jnp.pad(prior_data.T, ((0, 0), (0, pad)))

    mesh = plsc.VectorSubcoreMesh(core_axis_name="c", subcore_axis_name="s")
    f32 = jnp.float32
    run = functools.partial(
        pl.kernel,
        mesh=mesh,
        compiler_params=pltpu.CompilerParams(needs_layout_passes=False),
        out_type=jax.ShapeDtypeStruct((num, _ROWS_PAD, 16), f32),
        scratch_types=[
            pltpu.VMEM((_SH,), f32), pltpu.VMEM((_SH,), f32),
            pltpu.VMEM((_SH,), f32), pltpu.VMEM((_SH,), f32),
            pltpu.VMEM((_SH,), f32), pltpu.VMEM((_SH,), f32),
            pltpu.VMEM((_SH,), f32), pltpu.VMEM((_SH,), f32),
            pltpu.VMEM((_SH,), f32), pltpu.VMEM((_SH,), f32),
            pltpu.VMEM((_SH,), f32), pltpu.VMEM((_SH,), f32),
            pltpu.VMEM((_SH,), f32), pltpu.VMEM((_SH,), f32),
            pltpu.VMEM((16, 16), f32),
            pltpu.VMEM((16, 16), f32),
            pltpu.VMEM((16,), f32),
            pltpu.VMEM((_ROWS_PAD, 16), f32),
            pltpu.VMEM_SHARED((_ARENA_ROWS, 16), f32),
        ],
    )(_sc_body)
    rows = run(loc_r, sc_r, pr_r)

    out = jnp.zeros((num, NUM_CLASSES, TOP_K, 5), jnp.float32)
    return out.at[:, 1, :, :].set(rows[:, :TOP_K, :5])

# --- scband reference (transcript-rebuilt; emitter-appended) ---
"""Pipeline reference for scband-extd-81810537054901 (READ-ONLY COPY).

The authoritative reference and input builder live on the scoring server;
editing this copy changes nothing except your own understanding.
"""

import jax, jax.numpy as jnp
import numpy as np

NUM_CLASSES = 2
TOP_K = 750
NMS_THRESH = 0.3
CONF_THRESH = 0.05
VARIANCE = [0.1, 0.2]
NMS_TOP_K = 5000
NUM = 2
NUM_PRIORS = 20000


def setup_inputs(seed: int = 0):
    key = jax.random.key(seed)
    k1, k2, k3 = jax.random.split(key, 3)
    loc_data = jax.random.normal(k1, (NUM, NUM_PRIORS, 4), dtype=jnp.float32)
    conf_data = jax.random.uniform(k2, (NUM * NUM_PRIORS, NUM_CLASSES), dtype=jnp.float32)
    prior_data = jax.random.uniform(k3, (NUM_PRIORS, 4), dtype=jnp.float32)
    return {"loc_data": loc_data, "conf_data": conf_data, "prior_data": prior_data}


def decode_jnp(loc, priors, variances):
    boxes = jnp.concatenate([
        priors[:, :2] + loc[:, :2] * variances[0] * priors[:, 2:],
        priors[:, 2:] * jnp.exp(loc[:, 2:] * variances[1])], axis=1)
    boxes = boxes.at[:, :2].add(-boxes[:, 2:] / 2.0)
    boxes = boxes.at[:, 2:].add(boxes[:, :2])
    return boxes


def nms_np(boxes, scores, overlap, top_k):
    keep = np.zeros(scores.shape[0], dtype=np.int64)
    if boxes.size == 0:
        return keep, 0
    x1 = boxes[:, 0]; y1 = boxes[:, 1]; x2 = boxes[:, 2]; y2 = boxes[:, 3]
    area = (x2 - x1) * (y2 - y1)
    idx = np.argsort(scores, kind="stable")
    idx = idx[-top_k:]
    count = 0
    while idx.size > 0:
        i = idx[-1]
        keep[count] = i
        count += 1
        if idx.size == 1:
            break
        idx = idx[:-1]
        xx1 = np.maximum(x1[idx], x1[i])
        yy1 = np.maximum(y1[idx], y1[i])
        xx2 = np.minimum(x2[idx], x2[i])
        yy2 = np.minimum(y2[idx], y2[i])
        w = np.clip(xx2 - xx1, 0.0, None)
        h = np.clip(yy2 - yy1, 0.0, None)
        inter = w * h
        union = area[idx] - inter + area[i]
        IoU = inter / union
        idx = idx[IoU <= overlap]
    return keep, count


def nms_jnp(boxes, scores, valid, overlap, top_k):
    masked = jnp.where(valid, scores, -jnp.inf)
    order = jnp.argsort(masked, stable=True)
    idxw = order[-top_k:]
    k = idxw.shape[0]
    x1 = boxes[:, 0]; y1 = boxes[:, 1]; x2 = boxes[:, 2]; y2 = boxes[:, 3]
    area = (x2 - x1) * (y2 - y1)
    wx1 = x1[idxw]; wy1 = y1[idxw]; wx2 = x2[idxw]; wy2 = y2[idxw]
    warea = area[idxw]
    wvalid = valid[idxw]

    def body(t, state):
        alive, keep, count = state
        any_alive = jnp.any(alive)
        j = k - 1 - jnp.argmax(alive[::-1])
        i = idxw[j]
        sel = any_alive & wvalid[j]
        alive = alive.at[j].set(False)
        keep = keep.at[count].set(jnp.where(sel, i.astype(jnp.int32), keep[count]))
        count = count + sel.astype(jnp.int32)
        xx1 = jnp.maximum(wx1, wx1[j])
        yy1 = jnp.maximum(wy1, wy1[j])
        xx2 = jnp.minimum(wx2, wx2[j])
        yy2 = jnp.minimum(wy2, wy2[j])
        w = jnp.clip(xx2 - xx1, 0.0, None)
        h = jnp.clip(yy2 - yy1, 0.0, None)
        inter = w * h
        union = warea - inter + warea[j]
        IoU = inter / union
        alive = jnp.where(sel, alive & (IoU <= overlap), alive)
        return alive, keep, count

    alive0 = jnp.ones((k,), dtype=bool)
    keep0 = jnp.zeros((k,), dtype=jnp.int32)
    count0 = jnp.int32(0)
    alive, keep, count = jax.lax.fori_loop(0, k, body, (alive0, keep0, count0))
    return keep, count


def reference(loc_data, conf_data, prior_data):
    num = loc_data.shape[0]
    num_priors = prior_data.shape[0]
    conf_preds = conf_data.reshape(num, num_priors, NUM_CLASSES).transpose(0, 2, 1)
    batch_priors = jnp.broadcast_to(prior_data.reshape(1, num_priors, 4), (num, num_priors, 4)).reshape(-1, 4)
    decoded = decode_jnp(loc_data.reshape(-1, 4), batch_priors, VARIANCE).reshape(num, num_priors, 4)
    output = jnp.zeros((num, NUM_CLASSES, TOP_K, 5), dtype=jnp.float32)
    row_idx = jnp.arange(TOP_K)
    for i in range(num):
        for cl in range(1, NUM_CLASSES):
            scores_full = conf_preds[i, cl]
            c_mask = scores_full > CONF_THRESH
            boxes_full = decoded[i]
            keep, count = nms_jnp(boxes_full, scores_full, c_mask, NMS_THRESH, NMS_TOP_K)
            cnt = jnp.minimum(count, TOP_K)
            ids = keep[:TOP_K]
            row_valid = row_idx < cnt
            sc = jnp.where(row_valid, scores_full[ids], 0.0)
            bx = jnp.where(row_valid[:, None], boxes_full[ids], 0.0)
            entry = jnp.concatenate([sc[:, None], bx], axis=1)
            output = output.at[i, cl].set(entry)
    return output

if __name__ == "__main__":
    import jax
    _d = setup_inputs()
    print(jax.jit(kernel)(*tuple(_d.values())))

</pallas_src>

<mosaic_0001>
#map = affine_map<(d0, d1) -> (0, 0, 0)>
#map1 = affine_map<(d0, d1) -> (0, 0)>
module attributes {stable_mosaic.version = 14 : i64} {
  func.func @_sc_body(%arg0: i32, %arg1: i32, %arg2: memref<2x4x20480xf32, #tpu.memory_space<hbm>>, %arg3: memref<2x20480xf32, #tpu.memory_space<hbm>>, %arg4: memref<4x20480xf32, #tpu.memory_space<hbm>>, %arg5: memref<2x768x16xf32, #tpu.memory_space<hbm>>, %arg6: memref<1280xf32, #tpu.memory_space<vmem>>, %arg7: memref<1280xf32, #tpu.memory_space<vmem>>, %arg8: memref<1280xf32, #tpu.memory_space<vmem>>, %arg9: memref<1280xf32, #tpu.memory_space<vmem>>, %arg10: memref<1280xf32, #tpu.memory_space<vmem>>, %arg11: memref<1280xf32, #tpu.memory_space<vmem>>, %arg12: memref<1280xf32, #tpu.memory_space<vmem>>, %arg13: memref<1280xf32, #tpu.memory_space<vmem>>, %arg14: memref<1280xf32, #tpu.memory_space<vmem>>, %arg15: memref<1280xf32, #tpu.memory_space<vmem>>, %arg16: memref<1280xf32, #tpu.memory_space<vmem>>, %arg17: memref<1280xf32, #tpu.memory_space<vmem>>, %arg18: memref<1280xf32, #tpu.memory_space<vmem>>, %arg19: memref<1280xf32, #tpu.memory_space<vmem>>, %arg20: memref<16x16xf32, #tpu.memory_space<vmem>>, %arg21: memref<16x16xf32, #tpu.memory_space<vmem>>, %arg22: memref<16xf32, #tpu.memory_space<vmem>>, %arg23: memref<768x16xf32, #tpu.memory_space<vmem>>, %arg24: memref<64x16xf32, #tpu.memory_space<vmem_shared>>) attributes {dimension_semantics = [#tpu.dimension_semantics<core_parallel>, #tpu.dimension_semantics<subcore_parallel>], iteration_bounds = array<i64: 2, 16>, scalar_prefetch = 0 : i64, scratch_operands = 19 : i64, tpu.core_type = #tpu.core_type<sc_vector_subcore>, window_params = [{transform_indices = #map}, {transform_indices = #map1}, {transform_indices = #map1}, {transform_indices = #map}]} {
    %mul3A = arith.constant 1280 : i32
    %mul3A_0 = arith.muli %arg1, %mul3A : i32
    %iota3A = tpu.iota {dimensions = array<i32: 0>} : vector<16xi32>
    %scan3A = arith.constant 0 : i32
    %scan3A_1 = arith.constant 0 : i32
    %scan3A_2 = arith.constant 768 : i32
    %scan3A_3 = arith.addi %scan3A_1, %scan3A_2 : i32
    %scan3A_4 = arith.constant 1 : i32
    scf.for %scan3A_146 = %scan3A_1 to %scan3A_3 step %scan3A_4  : i32 {
      %broadcast_in_dim3A_147 = arith.constant 0.000000e+00 : f32
      %broadcast_in_dim3A_148 = vector.broadcast %broadcast_in_dim3A_147 : f32 to vector<16xf32>
      %swap3A_149 = arith.index_cast %scan3A_146 : i32 to index
      %swap3A_150 = arith.constant 0 : index
      %swap3A_151 = tpu.vector_load %arg23[%swap3A_149, %swap3A_150] {strides = array<i32>} : memref<768x16xf32, #tpu.memory_space<vmem>>, vector<16xf32>,
      tpu.vector_store %arg23[%swap3A_149, %swap3A_150], %broadcast_in_dim3A_148 {strides = array<i32>} : memref<768x16xf32, #tpu.memory_space<vmem>>, vector<16xf32>,
    }
    %scan3A_5 = arith.constant 768 : i32
    %run_scoped3A = arith.constant 0 : i32
    "tpu.region"() ({
      %run_scoped3A_146 = tpu.sem_alloc : memref<!tpu.dma_semaphore, #tpu.memory_space<semaphore_mem>>
      %dma_start3A = tpu.memref_slice %arg2[%arg0, %run_scoped3A, %mul3A_0] : memref<2x4x20480xf32, #tpu.memory_space<hbm>> -> memref<1x1x1280xf32, #tpu.memory_space<hbm>>
      %dma_start3A_147 = tpu.memref_squeeze %dma_start3A : memref<1x1x1280xf32, #tpu.memory_space<hbm>> -> memref<1280xf32, #tpu.memory_space<hbm>>
      %dma_start3A_148 = tpu.memref_slice %arg2[%arg0, %run_scoped3A, %mul3A_0] : memref<2x4x20480xf32, #tpu.memory_space<hbm>> -> memref<1x1x1280xf32, #tpu.memory_space<hbm>>
      %dma_start3A_149 = tpu.memref_squeeze %dma_start3A_148 : memref<1x1x1280xf32, #tpu.memory_space<hbm>> -> memref<1280xf32, #tpu.memory_space<hbm>>
      tpu.enqueue_dma source(%dma_start3A_149 : memref<1280xf32, #tpu.memory_space<hbm>>) target(%arg6 : memref<1280xf32, #tpu.memory_space<vmem>>) target_semaphore(%run_scoped3A_146 : memref<!tpu.dma_semaphore, #tpu.memory_space<semaphore_mem>>)
      %dma_wait3A = tpu.memref_slice %arg2[%arg0, %run_scoped3A, %mul3A_0] : memref<2x4x20480xf32, #tpu.memory_space<hbm>> -> memref<1x1x1280xf32, #tpu.memory_space<hbm>>
      %dma_wait3A_150 = tpu.memref_squeeze %dma_wait3A : memref<1x1x1280xf32, #tpu.memory_space<hbm>> -> memref<1280xf32, #tpu.memory_space<hbm>>
      %dma_wait3A_151 = tpu.memref_slice %arg2[%arg0, %run_scoped3A, %mul3A_0] : memref<2x4x20480xf32, #tpu.memory_space<hbm>> -> memref<1x1x1280xf32, #tpu.memory_space<hbm>>
      %dma_wait3A_152 = tpu.memref_squeeze %dma_wait3A_151 : memref<1x1x1280xf32, #tpu.memory_space<hbm>> -> memref<1280xf32, #tpu.memory_space<hbm>>
      tpu.wait_dma2 semaphore(%run_scoped3A_146 : memref<!tpu.dma_semaphore, #tpu.memory_space<semaphore_mem>>) src(%dma_wait3A_152 : memref<1280xf32, #tpu.memory_space<hbm>>) dst(%arg6 : memref<1280xf32, #tpu.memory_space<vmem>>)
      tpu.yield
    }) : () -> ()
    %run_scoped3A_6 = arith.constant 1 : i32
    "tpu.region"() ({
      %run_scoped3A_146 = tpu.sem_alloc : memref<!tpu.dma_semaphore, #tpu.memory_space<semaphore_mem>>
      %dma_start3A = tpu.memref_slice %arg2[%arg0, %run_scoped3A_6, %mul3A_0] : memref<2x4x20480xf32, #tpu.memory_space<hbm>> -> memref<1x1x1280xf32, #tpu.memory_space<hbm>>
      %dma_start3A_147 = tpu.memref_squeeze %dma_start3A : memref<1x1x1280xf32, #tpu.memory_space<hbm>> -> memref<1280xf32, #tpu.memory_space<hbm>>
      %dma_start3A_148 = tpu.memref_slice %arg2[%arg0, %run_scoped3A_6, %mul3A_0] : memref<2x4x20480xf32, #tpu.memory_space<hbm>> -> memref<1x1x1280xf32, #tpu.memory_space<hbm>>
      %dma_start3A_149 = tpu.memref_squeeze %dma_start3A_148 : memref<1x1x1280xf32, #tpu.memory_space<hbm>> -> memref<1280xf32, #tpu.memory_space<hbm>>
      tpu.enqueue_dma source(%dma_start3A_149 : memref<1280xf32, #tpu.memory_space<hbm>>) target(%arg7 : memref<1280xf32, #tpu.memory_space<vmem>>) target_semaphore(%run_scoped3A_146 : memref<!tpu.dma_semaphore, #tpu.memory_space<semaphore_mem>>)
      %dma_wait3A = tpu.memref_slice %arg2[%arg0, %run_scoped3A_6, %mul3A_0] : memref<2x4x20480xf32, #tpu.memory_space<hbm>> -> memref<1x1x1280xf32, #tpu.memory_space<hbm>>
      %dma_wait3A_150 = tpu.memref_squeeze %dma_wait3A : memref<1x1x1280xf32, #tpu.memory_space<hbm>> -> memref<1280xf32, #tpu.memory_space<hbm>>
      %dma_wait3A_151 = tpu.memref_slice %arg2[%arg0, %run_scoped3A_6, %mul3A_0] : memref<2x4x20480xf32, #tpu.memory_space<hbm>> -> memref<1x1x1280xf32, #tpu.memory_space<hbm>>
      %dma_wait3A_152 = tpu.memref_squeeze %dma_wait3A_151 : memref<1x1x1280xf32, #tpu.memory_space<hbm>> -> memref<1280xf32, #tpu.memory_space<hbm>>
      tpu.wait_dma2 semaphore(%run_scoped3A_146 : memref<!tpu.dma_semaphore, #tpu.memory_space<semaphore_mem>>) src(%dma_wait3A_152 : memref<1280xf32, #tpu.memory_space<hbm>>) dst(%arg7 : memref<1280xf32, #tpu.memory_space<vmem>>)
      tpu.yield
    }) : () -> ()
    %run_scoped3A_7 = arith.constant 2 : i32
    "tpu.region"() ({
      %run_scoped3A_146 = tpu.sem_alloc : memref<!tpu.dma_semaphore, #tpu.memory_space<semaphore_mem>>
      %dma_start3A = tpu.memref_slice %arg2[%arg0, %run_scoped3A_7, %mul3A_0] : memref<2x4x20480xf32, #tpu.memory_space<hbm>> -> memref<1x1x1280xf32, #tpu.memory_space<hbm>>
      %dma_start3A_147 = tpu.memref_squeeze %dma_start3A : memref<1x1x1280xf32, #tpu.memory_space<hbm>> -> memref<1280xf32, #tpu.memory_space<hbm>>
      %dma_start3A_148 = tpu.memref_slice %arg2[%arg0, %run_scoped3A_7, %mul3A_0] : memref<2x4x20480xf32, #tpu.memory_space<hbm>> -> memref<1x1x1280xf32, #tpu.memory_space<hbm>>
      %dma_start3A_149 = tpu.memref_squeeze %dma_start3A_148 : memref<1x1x1280xf32, #tpu.memory_space<hbm>> -> memref<1280xf32, #tpu.memory_space<hbm>>
      tpu.enqueue_dma source(%dma_start3A_149 : memref<1280xf32, #tpu.memory_space<hbm>>) target(%arg8 : memref<1280xf32, #tpu.memory_space<vmem>>) target_semaphore(%run_scoped3A_146 : memref<!tpu.dma_semaphore, #tpu.memory_space<semaphore_mem>>)
      %dma_wait3A = tpu.memref_slice %arg2[%arg0, %run_scoped3A_7, %mul3A_0] : memref<2x4x20480xf32, #tpu.memory_space<hbm>> -> memref<1x1x1280xf32, #tpu.memory_space<hbm>>
      %dma_wait3A_150 = tpu.memref_squeeze %dma_wait3A : memref<1x1x1280xf32, #tpu.memory_space<hbm>> -> memref<1280xf32, #tpu.memory_space<hbm>>
      %dma_wait3A_151 = tpu.memref_slice %arg2[%arg0, %run_scoped3A_7, %mul3A_0] : memref<2x4x20480xf32, #tpu.memory_space<hbm>> -> memref<1x1x1280xf32, #tpu.memory_space<hbm>>
      %dma_wait3A_152 = tpu.memref_squeeze %dma_wait3A_151 : memref<1x1x1280xf32, #tpu.memory_space<hbm>> -> memref<1280xf32, #tpu.memory_space<hbm>>
      tpu.wait_dma2 semaphore(%run_scoped3A_146 : memref<!tpu.dma_semaphore, #tpu.memory_space<semaphore_mem>>) src(%dma_wait3A_152 : memref<1280xf32, #tpu.memory_space<hbm>>) dst(%arg8 : memref<1280xf32, #tpu.memory_space<vmem>>)
      tpu.yield
    }) : () -> ()
    %run_scoped3A_8 = arith.constant 3 : i32
    "tpu.region"() ({
      %run_scoped3A_146 = tpu.sem_alloc : memref<!tpu.dma_semaphore, #tpu.memory_space<semaphore_mem>>
      %dma_start3A = tpu.memref_slice %arg2[%arg0, %run_scoped3A_8, %mul3A_0] : memref<2x4x20480xf32, #tpu.memory_space<hbm>> -> memref<1x1x1280xf32, #tpu.memory_space<hbm>>
      %dma_start3A_147 = tpu.memref_squeeze %dma_start3A : memref<1x1x1280xf32, #tpu.memory_space<hbm>> -> memref<1280xf32, #tpu.memory_space<hbm>>
      %dma_start3A_148 = tpu.memref_slice %arg2[%arg0, %run_scoped3A_8, %mul3A_0] : memref<2x4x20480xf32, #tpu.memory_space<hbm>> -> memref<1x1x1280xf32, #tpu.memory_space<hbm>>
      %dma_start3A_149 = tpu.memref_squeeze %dma_start3A_148 : memref<1x1x1280xf32, #tpu.memory_space<hbm>> -> memref<1280xf32, #tpu.memory_space<hbm>>
      tpu.enqueue_dma source(%dma_start3A_149 : memref<1280xf32, #tpu.memory_space<hbm>>) target(%arg9 : memref<1280xf32, #tpu.memory_space<vmem>>) target_semaphore(%run_scoped3A_146 : memref<!tpu.dma_semaphore, #tpu.memory_space<semaphore_mem>>)
      %dma_wait3A = tpu.memref_slice %arg2[%arg0, %run_scoped3A_8, %mul3A_0] : memref<2x4x20480xf32, #tpu.memory_space<hbm>> -> memref<1x1x1280xf32, #tpu.memory_space<hbm>>
      %dma_wait3A_150 = tpu.memref_squeeze %dma_wait3A : memref<1x1x1280xf32, #tpu.memory_space<hbm>> -> memref<1280xf32, #tpu.memory_space<hbm>>
      %dma_wait3A_151 = tpu.memref_slice %arg2[%arg0, %run_scoped3A_8, %mul3A_0] : memref<2x4x20480xf32, #tpu.memory_space<hbm>> -> memref<1x1x1280xf32, #tpu.memory_space<hbm>>
      %dma_wait3A_152 = tpu.memref_squeeze %dma_wait3A_151 : memref<1x1x1280xf32, #tpu.memory_space<hbm>> -> memref<1280xf32, #tpu.memory_space<hbm>>
      tpu.wait_dma2 semaphore(%run_scoped3A_146 : memref<!tpu.dma_semaphore, #tpu.memory_space<semaphore_mem>>) src(%dma_wait3A_152 : memref<1280xf32, #tpu.memory_space<hbm>>) dst(%arg9 : memref<1280xf32, #tpu.memory_space<vmem>>)
      tpu.yield
    }) : () -> ()
    %run_scoped3A_9 = arith.constant 0 : i32
    "tpu.region"() ({
      %run_scoped3A_146 = tpu.sem_alloc : memref<!tpu.dma_semaphore, #tpu.memory_space<semaphore_mem>>
      %dma_start3A = tpu.memref_slice %arg4[%run_scoped3A_9, %mul3A_0] : memref<4x20480xf32, #tpu.memory_space<hbm>> -> memref<1x1280xf32, #tpu.memory_space<hbm>>
      %dma_start3A_147 = tpu.memref_squeeze %dma_start3A : memref<1x1280xf32, #tpu.memory_space<hbm>> -> memref<1280xf32, #tpu.memory_space<hbm>>
      %dma_start3A_148 = tpu.memref_slice %arg4[%run_scoped3A_9, %mul3A_0] : memref<4x20480xf32, #tpu.memory_space<hbm>> -> memref<1x1280xf32, #tpu.memory_space<hbm>>
      %dma_start3A_149 = tpu.memref_squeeze %dma_start3A_148 : memref<1x1280xf32, #tpu.memory_space<hbm>> -> memref<1280xf32, #tpu.memory_space<hbm>>
      tpu.enqueue_dma source(%dma_start3A_149 : memref<1280xf32, #tpu.memory_space<hbm>>) target(%arg10 : memref<1280xf32, #tpu.memory_space<vmem>>) target_semaphore(%run_scoped3A_146 : memref<!tpu.dma_semaphore, #tpu.memory_space<semaphore_mem>>)
      %dma_wait3A = tpu.memref_slice %arg4[%run_scoped3A_9, %mul3A_0] : memref<4x20480xf32, #tpu.memory_space<hbm>> -> memref<1x1280xf32, #tpu.memory_space<hbm>>
      %dma_wait3A_150 = tpu.memref_squeeze %dma_wait3A : memref<1x1280xf32, #tpu.memory_space<hbm>> -> memref<1280xf32, #tpu.memory_space<hbm>>
      %dma_wait3A_151 = tpu.memref_slice %arg4[%run_scoped3A_9, %mul3A_0] : memref<4x20480xf32, #tpu.memory_space<hbm>> -> memref<1x1280xf32, #tpu.memory_space<hbm>>
      %dma_wait3A_152 = tpu.memref_squeeze %dma_wait3A_151 : memref<1x1280xf32, #tpu.memory_space<hbm>> -> memref<1280xf32, #tpu.memory_space<hbm>>
      tpu.wait_dma2 semaphore(%run_scoped3A_146 : memref<!tpu.dma_semaphore, #tpu.memory_space<semaphore_mem>>) src(%dma_wait3A_152 : memref<1280xf32, #tpu.memory_space<hbm>>) dst(%arg10 : memref<1280xf32, #tpu.memory_space<vmem>>)
      tpu.yield
    }) : () -> ()
    %run_scoped3A_10 = arith.constant 1 : i32
    "tpu.region"() ({
      %run_scoped3A_146 = tpu.sem_alloc : memref<!tpu.dma_semaphore, #tpu.memory_space<semaphore_mem>>
      %dma_start3A = tpu.memref_slice %arg4[%run_scoped3A_10, %mul3A_0] : memref<4x20480xf32, #tpu.memory_space<hbm>> -> memref<1x1280xf32, #tpu.memory_space<hbm>>
      %dma_start3A_147 = tpu.memref_squeeze %dma_start3A : memref<1x1280xf32, #tpu.memory_space<hbm>> -> memref<1280xf32, #tpu.memory_space<hbm>>
      %dma_start3A_148 = tpu.memref_slice %arg4[%run_scoped3A_10, %mul3A_0] : memref<4x20480xf32, #tpu.memory_space<hbm>> -> memref<1x1280xf32, #tpu.memory_space<hbm>>
      %dma_start3A_149 = tpu.memref_squeeze %dma_start3A_148 : memref<1x1280xf32, #tpu.memory_space<hbm>> -> memref<1280xf32, #tpu.memory_space<hbm>>
      tpu.enqueue_dma source(%dma_start3A_149 : memref<1280xf32, #tpu.memory_space<hbm>>) target(%arg11 : memref<1280xf32, #tpu.memory_space<vmem>>) target_semaphore(%run_scoped3A_146 : memref<!tpu.dma_semaphore, #tpu.memory_space<semaphore_mem>>)
      %dma_wait3A = tpu.memref_slice %arg4[%run_scoped3A_10, %mul3A_0] : memref<4x20480xf32, #tpu.memory_space<hbm>> -> memref<1x1280xf32, #tpu.memory_space<hbm>>
      %dma_wait3A_150 = tpu.memref_squeeze %dma_wait3A : memref<1x1280xf32, #tpu.memory_space<hbm>> -> memref<1280xf32, #tpu.memory_space<hbm>>
      %dma_wait3A_151 = tpu.memref_slice %arg4[%run_scoped3A_10, %mul3A_0] : memref<4x20480xf32, #tpu.memory_space<hbm>> -> memref<1x1280xf32, #tpu.memory_space<hbm>>
      %dma_wait3A_152 = tpu.memref_squeeze %dma_wait3A_151 : memref<1x1280xf32, #tpu.memory_space<hbm>> -> memref<1280xf32, #tpu.memory_space<hbm>>
      tpu.wait_dma2 semaphore(%run_scoped3A_146 : memref<!tpu.dma_semaphore, #tpu.memory_space<semaphore_mem>>) src(%dma_wait3A_152 : memref<1280xf32, #tpu.memory_space<hbm>>) dst(%arg11 : memref<1280xf32, #tpu.memory_space<vmem>>)
      tpu.yield
    }) : () -> ()
    %run_scoped3A_11 = arith.constant 2 : i32
    "tpu.region"() ({
      %run_scoped3A_146 = tpu.sem_alloc : memref<!tpu.dma_semaphore, #tpu.memory_space<semaphore_mem>>
      %dma_start3A = tpu.memref_slice %arg4[%run_scoped3A_11, %mul3A_0] : memref<4x20480xf32, #tpu.memory_space<hbm>> -> memref<1x1280xf32, #tpu.memory_space<hbm>>
      %dma_start3A_147 = tpu.memref_squeeze %dma_start3A : memref<1x1280xf32, #tpu.memory_space<hbm>> -> memref<1280xf32, #tpu.memory_space<hbm>>
      %dma_start3A_148 = tpu.memref_slice %arg4[%run_scoped3A_11, %mul3A_0] : memref<4x20480xf32, #tpu.memory_space<hbm>> -> memref<1x1280xf32, #tpu.memory_space<hbm>>
      %dma_start3A_149 = tpu.memref_squeeze %dma_start3A_148 : memref<1x1280xf32, #tpu.memory_space<hbm>> -> memref<1280xf32, #tpu.memory_space<hbm>>
      tpu.enqueue_dma source(%dma_start3A_149 : memref<1280xf32, #tpu.memory_space<hbm>>) target(%arg12 : memref<1280xf32, #tpu.memory_space<vmem>>) target_semaphore(%run_scoped3A_146 : memref<!tpu.dma_semaphore, #tpu.memory_space<semaphore_mem>>)
      %dma_wait3A = tpu.memref_slice %arg4[%run_scoped3A_11, %mul3A_0] : memref<4x20480xf32, #tpu.memory_space<hbm>> -> memref<1x1280xf32, #tpu.memory_space<hbm>>
      %dma_wait3A_150 = tpu.memref_squeeze %dma_wait3A : memref<1x1280xf32, #tpu.memory_space<hbm>> -> memref<1280xf32, #tpu.memory_space<hbm>>
      %dma_wait3A_151 = tpu.memref_slice %arg4[%run_scoped3A_11, %mul3A_0] : memref<4x20480xf32, #tpu.memory_space<hbm>> -> memref<1x1280xf32, #tpu.memory_space<hbm>>
      %dma_wait3A_152 = tpu.memref_squeeze %dma_wait3A_151 : memref<1x1280xf32, #tpu.memory_space<hbm>> -> memref<1280xf32, #tpu.memory_space<hbm>>
      tpu.wait_dma2 semaphore(%run_scoped3A_146 : memref<!tpu.dma_semaphore, #tpu.memory_space<semaphore_mem>>) src(%dma_wait3A_152 : memref<1280xf32, #tpu.memory_space<hbm>>) dst(%arg12 : memref<1280xf32, #tpu.memory_space<vmem>>)
      tpu.yield
    }) : () -> ()
    %run_scoped3A_12 = arith.constant 3 : i32
    "tpu.region"() ({
      %run_scoped3A_146 = tpu.sem_alloc : memref<!tpu.dma_semaphore, #tpu.memory_space<semaphore_mem>>
      %dma_start3A = tpu.memref_slice %arg4[%run_scoped3A_12, %mul3A_0] : memref<4x20480xf32, #tpu.memory_space<hbm>> -> memref<1x1280xf32, #tpu.memory_space<hbm>>
      %dma_start3A_147 = tpu.memref_squeeze %dma_start3A : memref<1x1280xf32, #tpu.memory_space<hbm>> -> memref<1280xf32, #tpu.memory_space<hbm>>
      %dma_start3A_148 = tpu.memref_slice %arg4[%run_scoped3A_12, %mul3A_0] : memref<4x20480xf32, #tpu.memory_space<hbm>> -> memref<1x1280xf32, #tpu.memory_space<hbm>>
      %dma_start3A_149 = tpu.memref_squeeze %dma_start3A_148 : memref<1x1280xf32, #tpu.memory_space<hbm>> -> memref<1280xf32, #tpu.memory_space<hbm>>
      tpu.enqueue_dma source(%dma_start3A_149 : memref<1280xf32, #tpu.memory_space<hbm>>) target(%arg13 : memref<1280xf32, #tpu.memory_space<vmem>>) target_semaphore(%run_scoped3A_146 : memref<!tpu.dma_semaphore, #tpu.memory_space<semaphore_mem>>)
      %dma_wait3A = tpu.memref_slice %arg4[%run_scoped3A_12, %mul3A_0] : memref<4x20480xf32, #tpu.memory_space<hbm>> -> memref<1x1280xf32, #tpu.memory_space<hbm>>
      %dma_wait3A_150 = tpu.memref_squeeze %dma_wait3A : memref<1x1280xf32, #tpu.memory_space<hbm>> -> memref<1280xf32, #tpu.memory_space<hbm>>
      %dma_wait3A_151 = tpu.memref_slice %arg4[%run_scoped3A_12, %mul3A_0] : memref<4x20480xf32, #tpu.memory_space<hbm>> -> memref<1x1280xf32, #tpu.memory_space<hbm>>
      %dma_wait3A_152 = tpu.memref_squeeze %dma_wait3A_151 : memref<1x1280xf32, #tpu.memory_space<hbm>> -> memref<1280xf32, #tpu.memory_space<hbm>>
      tpu.wait_dma2 semaphore(%run_scoped3A_146 : memref<!tpu.dma_semaphore, #tpu.memory_space<semaphore_mem>>) src(%dma_wait3A_152 : memref<1280xf32, #tpu.memory_space<hbm>>) dst(%arg13 : memref<1280xf32, #tpu.memory_space<vmem>>)
      tpu.yield
    }) : () -> ()
    "tpu.region"() ({
      %run_scoped3A_146 = tpu.sem_alloc : memref<!tpu.dma_semaphore, #tpu.memory_space<semaphore_mem>>
      %dma_start3A = tpu.memref_slice %arg3[%arg0, %mul3A_0] : memref<2x20480xf32, #tpu.memory_space<hbm>> -> memref<1x1280xf32, #tpu.memory_space<hbm>>
      %dma_start3A_147 = tpu.memref_squeeze %dma_start3A : memref<1x1280xf32, #tpu.memory_space<hbm>> -> memref<1280xf32, #tpu.memory_space<hbm>>
      %dma_start3A_148 = tpu.memref_slice %arg3[%arg0, %mul3A_0] : memref<2x20480xf32, #tpu.memory_space<hbm>> -> memref<1x1280xf32, #tpu.memory_space<hbm>>
      %dma_start3A_149 = tpu.memref_squeeze %dma_start3A_148 : memref<1x1280xf32, #tpu.memory_space<hbm>> -> memref<1280xf32, #tpu.memory_space<hbm>>
      tpu.enqueue_dma source(%dma_start3A_149 : memref<1280xf32, #tpu.memory_space<hbm>>) target(%arg19 : memref<1280xf32, #tpu.memory_space<vmem>>) target_semaphore(%run_scoped3A_146 : memref<!tpu.dma_semaphore, #tpu.memory_space<semaphore_mem>>)
      %dma_wait3A = tpu.memref_slice %arg3[%arg0, %mul3A_0] : memref<2x20480xf32, #tpu.memory_space<hbm>> -> memref<1x1280xf32, #tpu.memory_space<hbm>>
      %dma_wait3A_150 = tpu.memref_squeeze %dma_wait3A : memref<1x1280xf32, #tpu.memory_space<hbm>> -> memref<1280xf32, #tpu.memory_space<hbm>>
      %dma_wait3A_151 = tpu.memref_slice %arg3[%arg0, %mul3A_0] : memref<2x20480xf32, #tpu.memory_space<hbm>> -> memref<1x1280xf32, #tpu.memory_space<hbm>>
      %dma_wait3A_152 = tpu.memref_squeeze %dma_wait3A_151 : memref<1x1280xf32, #tpu.memory_space<hbm>> -> memref<1280xf32, #tpu.memory_space<hbm>>
      tpu.wait_dma2 semaphore(%run_scoped3A_146 : memref<!tpu.dma_semaphore, #tpu.memory_space<semaphore_mem>>) src(%dma_wait3A_152 : memref<1280xf32, #tpu.memory_space<hbm>>) dst(%arg19 : memref<1280xf32, #tpu.memory_space<vmem>>)
      tpu.yield
    }) : () -> ()
    %scan3A_13 = arith.constant 0 : i32
    %scan3A_14 = arith.constant 0 : i32
    %scan3A_15 = arith.constant 80 : i32
    %scan3A_16 = arith.addi %scan3A_14, %scan3A_15 : i32
    %scan3A_17 = arith.constant 1 : i32
    scf.for %scan3A_146 = %scan3A_14 to %scan3A_16 step %scan3A_17  : i32 {
      %mul3A_147 = arith.constant 16 : i32
      %mul3A_148 = arith.muli %scan3A_146, %mul3A_147 : i32
      %get3A_149 = arith.index_cast %mul3A_148 : i32 to index
      %get3A_150 = tpu.vector_load %arg6[%get3A_149] {strides = array<i32>} : memref<1280xf32, #tpu.memory_space<vmem>>, vector<16xf32>,
      %get3A_151 = arith.index_cast %mul3A_148 : i32 to index
      %get3A_152 = tpu.vector_load %arg7[%get3A_151] {strides = array<i32>} : memref<1280xf32, #tpu.memory_space<vmem>>, vector<16xf32>,
      %get3A_153 = arith.index_cast %mul3A_148 : i32 to index
      %get3A_154 = tpu.vector_load %arg8[%get3A_153] {strides = array<i32>} : memref<1280xf32, #tpu.memory_space<vmem>>, vector<16xf32>,
      %get3A_155 = arith.index_cast %mul3A_148 : i32 to index
      %get3A_156 = tpu.vector_load %arg9[%get3A_155] {strides = array<i32>} : memref<1280xf32, #tpu.memory_space<vmem>>, vector<16xf32>,
      %get3A_157 = arith.index_cast %mul3A_148 : i32 to index
      %get3A_158 = tpu.vector_load %arg10[%get3A_157] {strides = array<i32>} : memref<1280xf32, #tpu.memory_space<vmem>>, vector<16xf32>,
      %get3A_159 = arith.index_cast %mul3A_148 : i32 to index
      %get3A_160 = tpu.vector_load %arg11[%get3A_159] {strides = array<i32>} : memref<1280xf32, #tpu.memory_space<vmem>>, vector<16xf32>,
      %get3A_161 = arith.index_cast %mul3A_148 : i32 to index
      %get3A_162 = tpu.vector_load %arg12[%get3A_161] {strides = array<i32>} : memref<1280xf32, #tpu.memory_space<vmem>>, vector<16xf32>,
      %get3A_163 = arith.index_cast %mul3A_148 : i32 to index
      %get3A_164 = tpu.vector_load %arg13[%get3A_163] {strides = array<i32>} : memref<1280xf32, #tpu.memory_space<vmem>>, vector<16xf32>,
      %mul3A_165 = arith.constant 1.000000e-01 : f32
      %mul3A_166 = vector.broadcast %mul3A_165 : f32 to vector<16xf32>
      %mul3A_167 = arith.mulf %get3A_150, %mul3A_166 : vector<16xf32>
      %mul3A_168 = arith.mulf %mul3A_167, %get3A_162 : vector<16xf32>
      %add3A_169 = arith.addf %get3A_158, %mul3A_168 : vector<16xf32>
      %mul3A_170 = arith.constant 1.000000e-01 : f32
      %mul3A_171 = vector.broadcast %mul3A_170 : f32 to vector<16xf32>
      %mul3A_172 = arith.mulf %get3A_152, %mul3A_171 : vector<16xf32>
      %mul3A_173 = arith.mulf %mul3A_172, %get3A_164 : vector<16xf32>
      %add3A_174 = arith.addf %get3A_160, %mul3A_173 : vector<16xf32>
      %mul3A_175 = arith.constant 2.000000e-01 : f32
      %mul3A_176 = vector.broadcast %mul3A_175 : f32 to vector<16xf32>
      %mul3A_177 = arith.mulf %get3A_154, %mul3A_176 : vector<16xf32>
      %exp3A = math.exp %mul3A_177 : vector<16xf32>
      %mul3A_178 = arith.mulf %get3A_162, %exp3A : vector<16xf32>
      %mul3A_179 = arith.constant 2.000000e-01 : f32
      %mul3A_180 = vector.broadcast %mul3A_179 : f32 to vector<16xf32>
      %mul3A_181 = arith.mulf %get3A_156, %mul3A_180 : vector<16xf32>
      %exp3A_182 = math.exp %mul3A_181 : vector<16xf32>
      %mul3A_183 = arith.mulf %get3A_164, %exp3A_182 : vector<16xf32>
      %div3A = arith.constant 2.000000e+00 : f32
      %div3A_184 = vector.broadcast %div3A : f32 to vector<16xf32>
      %div3A_185 = arith.divf %mul3A_178, %div3A_184 : vector<16xf32>
      %neg3A = arith.constant 0.000000e+00 : f32
      %neg3A_186 = vector.broadcast %neg3A : f32 to vector<16xf32>
      %neg3A_187 = arith.subf %neg3A_186, %div3A_185 : vector<16xf32>
      %add3A_188 = arith.addf %add3A_169, %neg3A_187 : vector<16xf32>
      %div3A_189 = arith.constant 2.000000e+00 : f32
      %div3A_190 = vector.broadcast %div3A_189 : f32 to vector<16xf32>
      %div3A_191 = arith.divf %mul3A_183, %div3A_190 : vector<16xf32>
      %neg3A_192 = arith.constant 0.000000e+00 : f32
      %neg3A_193 = vector.broadcast %neg3A_192 : f32 to vector<16xf32>
      %neg3A_194 = arith.subf %neg3A_193, %div3A_191 : vector<16xf32>
      %add3A_195 = arith.addf %add3A_174, %neg3A_194 : vector<16xf32>
      %add3A_196 = arith.addf %mul3A_178, %add3A_188 : vector<16xf32>
      %add3A_197 = arith.addf %mul3A_183, %add3A_195 : vector<16xf32>
      %swap3A_198 = arith.index_cast %mul3A_148 : i32 to index
      %swap3A_199 = tpu.vector_load %arg14[%swap3A_198] {strides = array<i32>} : memref<1280xf32, #tpu.memory_space<vmem>>, vector<16xf32>,
      tpu.vector_store %arg14[%swap3A_198], %add3A_188 {strides = array<i32>} : memref<1280xf32, #tpu.memory_space<vmem>>, vector<16xf32>,
      %swap3A_200 = arith.index_cast %mul3A_148 : i32 to index
      %swap3A_201 = tpu.vector_load %arg15[%swap3A_200] {strides = array<i32>} : memref<1280xf32, #tpu.memory_space<vmem>>, vector<16xf32>,
      tpu.vector_store %arg15[%swap3A_200], %add3A_195 {strides = array<i32>} : memref<1280xf32, #tpu.memory_space<vmem>>, vector<16xf32>,
      %swap3A_202 = arith.index_cast %mul3A_148 : i32 to index
      %swap3A_203 = tpu.vector_load %arg16[%swap3A_202] {strides = array<i32>} : memref<1280xf32, #tpu.memory_space<vmem>>, vector<16xf32>,
      tpu.vector_store %arg16[%swap3A_202], %add3A_196 {strides = array<i32>} : memref<1280xf32, #tpu.memory_space<vmem>>, vector<16xf32>,
      %swap3A_204 = arith.index_cast %mul3A_148 : i32 to index
      %swap3A_205 = tpu.vector_load %arg17[%swap3A_204] {strides = array<i32>} : memref<1280xf32, #tpu.memory_space<vmem>>, vector<16xf32>,
      tpu.vector_store %arg17[%swap3A_204], %add3A_197 {strides = array<i32>} : memref<1280xf32, #tpu.memory_space<vmem>>, vector<16xf32>,
      %sub3A_206 = arith.subf %add3A_196, %add3A_188 : vector<16xf32>
      %sub3A_207 = arith.subf %add3A_197, %add3A_195 : vector<16xf32>
      %mul3A_208 = arith.mulf %sub3A_206, %sub3A_207 : vector<16xf32>
      %swap3A_209 = arith.index_cast %mul3A_148 : i32 to index
      %swap3A_210 = tpu.vector_load %arg18[%swap3A_209] {strides = array<i32>} : memref<1280xf32, #tpu.memory_space<vmem>>, vector<16xf32>,
      tpu.vector_store %arg18[%swap3A_209], %mul3A_208 {strides = array<i32>} : memref<1280xf32, #tpu.memory_space<vmem>>, vector<16xf32>,
      %get3A_211 = arith.index_cast %mul3A_148 : i32 to index
      %get3A_212 = tpu.vector_load %arg19[%get3A_211] {strides = array<i32>} : memref<1280xf32, #tpu.memory_space<vmem>>, vector<16xf32>,
      %gt3A = arith.constant 5.000000e-02 : f32
      %gt3A_213 = vector.broadcast %gt3A : f32 to vector<16xf32>
      %gt3A_214 = arith.cmpf ogt, %get3A_212, %gt3A_213 : vector<16xf32>
      %jit3A = arith.constant -1.000000e+00 : f32
      %broadcast_in_dim3A_215 = vector.broadcast %jit3A : f32 to vector<16xf32>
      %select_n3A = arith.select %gt3A_214, %get3A_212, %broadcast_in_dim3A_215 : vector<16xi1>, vector<16xf32>
      %swap3A_216 = arith.index_cast %mul3A_148 : i32 to index
      %swap3A_217 = tpu.vector_load %arg19[%swap3A_216] {strides = array<i32>} : memref<1280xf32, #tpu.memory_space<vmem>>, vector<16xf32>,
      tpu.vector_store %arg19[%swap3A_216], %select_n3A {strides = array<i32>} : memref<1280xf32, #tpu.memory_space<vmem>>, vector<16xf32>,
    }
    %scan3A_18 = arith.constant 80 : i32
    %broadcast_in_dim3A = arith.constant 0.000000e+00 : f32
    %broadcast_in_dim3A_19 = vector.broadcast %broadcast_in_dim3A : f32 to vector<16xf32>
    %add3A = arith.constant 1.000000e+00 : f32
    %add3A_20 = vector.broadcast %add3A : f32 to vector<16xf32>
    %add3A_21 = arith.addf %broadcast_in_dim3A_19, %add3A_20 : vector<16xf32>
    %scan3A_22 = arith.constant 0 : i32
    %scan3A_23 = arith.constant 48 : i32
    %scan3A_24 = arith.addi %scan3A_22, %scan3A_23 : i32
    %scan3A_25 = arith.constant 1 : i32
    %scan3A_26:2 = scf.for %scan3A_146 = %scan3A_22 to %scan3A_24 step %scan3A_25 iter_args(%scan3A_147 = %broadcast_in_dim3A_19, %scan3A_148 = %add3A_21) -> (vector<16xf32>, vector<16xf32>)  : i32 {
      %sub3A_149 = arith.subf %scan3A_148, %scan3A_147 : vector<16xf32>
      %mul3A_150 = arith.constant 5.000000e-01 : f32
      %mul3A_151 = vector.broadcast %mul3A_150 : f32 to vector<16xf32>
      %mul3A_152 = arith.mulf %sub3A_149, %mul3A_151 : vector<16xf32>
      %add3A_153 = arith.addf %scan3A_147, %mul3A_152 : vector<16xf32>
      %broadcast_in_dim3A_154 = arith.constant 0 : i32
      %broadcast_in_dim3A_155 = vector.broadcast %broadcast_in_dim3A_154 : i32 to vector<16xi32>
      %scan3A_156 = arith.constant 0 : i32
      %scan3A_157 = arith.constant 80 : i32
      %scan3A_158 = arith.addi %scan3A_156, %scan3A_157 : i32
      %scan3A_159 = arith.constant 1 : i32
      %scan3A_160 = scf.for %scan3A_261 = %scan3A_156 to %scan3A_158 step %scan3A_159 iter_args(%scan3A_262 = %broadcast_in_dim3A_155) -> (vector<16xi32>)  : i32 {
        %mul3A_263 = arith.constant 16 : i32
        %mul3A_264 = arith.muli %scan3A_261, %mul3A_263 : i32
        %get3A_265 = arith.index_cast %mul3A_264 : i32 to index
        %get3A_266 = tpu.vector_load %arg19[%get3A_265] {strides = array<i32>} : memref<1280xf32, #tpu.memory_space<vmem>>, vector<16xf32>,
        %gt3A = arith.cmpf ogt, %get3A_266, %add3A_153 : vector<16xf32>
        %all_reduce_population_count3A = tpu.all_reduce %gt3A {dim = 0 : i64, kind = #tpu.reduction_kind<sum>} : vector<16xi1> -> vector<16xi32>
        %add3A_267 = arith.addi %scan3A_262, %all_reduce_population_count3A : vector<16xi32>
        scf.yield %add3A_267 : vector<16xi32>
      }
      %scan3A_161 = arith.constant 80 : i32
      %and3A = arith.constant 1 : i32
      %and3A_162 = arith.andi %scan3A_146, %and3A : i32
      %convert_element_type3A_163 = arith.sitofp %scan3A_160 : vector<16xi32> to vector<16xf32>
      %swap3A_164 = arith.constant 0 : index
      %swap3A_165 = tpu.vector_load %arg22[%swap3A_164] {strides = array<i32>} : memref<16xf32, #tpu.memory_space<vmem>>, vector<16xf32>,
      tpu.vector_store %arg22[%swap3A_164], %convert_element_type3A_163 {strides = array<i32>} : memref<16xf32, #tpu.memory_space<vmem>>, vector<16xf32>,
      %mul3A_166 = arith.constant 16 : i32
      %mul3A_167 = arith.muli %and3A_162, %mul3A_166 : i32
      %add3A_168 = arith.constant 0 : i32
      %add3A_169 = arith.addi %add3A_168, %mul3A_167 : i32
      %add3A_170 = arith.addi %add3A_169, %arg1 : i32
      "tpu.region"() ({
        %run_scoped3A_261 = tpu.sem_alloc : memref<!tpu.dma_semaphore, #tpu.memory_space<semaphore_mem>>
        %dma_start3A = arith.constant 0 : i32
        %dma_start3A_262 = tpu.memref_slice %arg24[%add3A_170, %dma_start3A] : memref<64x16xf32, #tpu.memory_space<vmem_shared>> -> memref<1x16xf32, #tpu.memory_space<vmem_shared>>
        %dma_start3A_263 = tpu.memref_squeeze %dma_start3A_262 : memref<1x16xf32, #tpu.memory_space<vmem_shared>> -> memref<16xf32, #tpu.memory_space<vmem_shared>>
        %dma_start3A_264 = arith.constant 0 : i32
        %dma_start3A_265 = tpu.memref_slice %arg24[%add3A_170, %dma_start3A_264] : memref<64x16xf32, #tpu.memory_space<vmem_shared>> -> memref<1x16xf32, #tpu.memory_space<vmem_shared>>
        %dma_start3A_266 = tpu.memref_squeeze %dma_start3A_265 : memref<1x16xf32, #tpu.memory_space<vmem_shared>> -> memref<16xf32, #tpu.memory_space<vmem_shared>>
        tpu.enqueue_dma source(%arg22 : memref<16xf32, #tpu.memory_space<vmem>>) target(%dma_start3A_266 : memref<16xf32, #tpu.memory_space<vmem_shared>>) target_semaphore(%run_scoped3A_261 : memref<!tpu.dma_semaphore, #tpu.memory_space<semaphore_mem>>)
        %dma_wait3A = arith.constant 0 : i32
        %dma_wait3A_267 = tpu.memref_slice %arg24[%add3A_170, %dma_wait3A] : memref<64x16xf32, #tpu.memory_space<vmem_shared>> -> memref<1x16xf32, #tpu.memory_space<vmem_shared>>
        %dma_wait3A_268 = tpu.memref_squeeze %dma_wait3A_267 : memref<1x16xf32, #tpu.memory_space<vmem_shared>> -> memref<16xf32, #tpu.memory_space<vmem_shared>>
        %dma_wait3A_269 = arith.constant 0 : i32
        %dma_wait3A_270 = tpu.memref_slice %arg24[%add3A_170, %dma_wait3A_269] : memref<64x16xf32, #tpu.memory_space<vmem_shared>> -> memref<1x16xf32, #tpu.memory_space<vmem_shared>>
        %dma_wait3A_271 = tpu.memref_squeeze %dma_wait3A_270 : memref<1x16xf32, #tpu.memory_space<vmem_shared>> -> memref<16xf32, #tpu.memory_space<vmem_shared>>
        tpu.wait_dma2 semaphore(%run_scoped3A_261 : memref<!tpu.dma_semaphore, #tpu.memory_space<semaphore_mem>>) src(%arg22 : memref<16xf32, #tpu.memory_space<vmem>>) dst(%dma_wait3A_271 : memref<16xf32, #tpu.memory_space<vmem_shared>>)
        tpu.yield
      }) : () -> ()
      %barrier3A_171 = arith.constant 0 : index
      tpu.barrier barrier_id(%barrier3A_171)
      %mul3A_172 = arith.constant 16 : i32
      %mul3A_173 = arith.muli %and3A_162, %mul3A_172 : i32
      %add3A_174 = arith.constant 0 : i32
      %add3A_175 = arith.addi %add3A_174, %mul3A_173 : i32
      "tpu.region"() ({
        %run_scoped3A_261 = tpu.sem_alloc : memref<!tpu.dma_semaphore, #tpu.memory_space<semaphore_mem>>
        %dma_start3A = arith.constant 0 : i32
        %dma_start3A_262 = tpu.memref_slice %arg24[%add3A_175, %dma_start3A] : memref<64x16xf32, #tpu.memory_space<vmem_shared>> -> memref<16x16xf32, #tpu.memory_space<vmem_shared>>
        %dma_start3A_263 = arith.constant 0 : i32
        %dma_start3A_264 = tpu.memref_slice %arg24[%add3A_175, %dma_start3A_263] : memref<64x16xf32, #tpu.memory_space<vmem_shared>> -> memref<16x16xf32, #tpu.memory_space<vmem_shared>>
        tpu.enqueue_dma source(%dma_start3A_264 : memref<16x16xf32, #tpu.memory_space<vmem_shared>>) target(%arg21 : memref<16x16xf32, #tpu.memory_space<vmem>>) target_semaphore(%run_scoped3A_261 : memref<!tpu.dma_semaphore, #tpu.memory_space<semaphore_mem>>)
        %dma_wait3A = arith.constant 0 : i32
        %dma_wait3A_265 = tpu.memref_slice %arg24[%add3A_175, %dma_wait3A] : memref<64x16xf32, #tpu.memory_space<vmem_shared>> -> memref<16x16xf32, #tpu.memory_space<vmem_shared>>
        %dma_wait3A_266 = arith.constant 0 : i32
        %dma_wait3A_267 = tpu.memref_slice %arg24[%add3A_175, %dma_wait3A_266] : memref<64x16xf32, #tpu.memory_space<vmem_shared>> -> memref<16x16xf32, #tpu.memory_space<vmem_shared>>
        tpu.wait_dma2 semaphore(%run_scoped3A_261 : memref<!tpu.dma_semaphore, #tpu.memory_space<semaphore_mem>>) src(%dma_wait3A_267 : memref<16x16xf32, #tpu.memory_space<vmem_shared>>) dst(%arg21 : memref<16x16xf32, #tpu.memory_space<vmem>>)
        tpu.yield
      }) : () -> ()
      %broadcast_in_dim3A_176 = arith.constant 0.000000e+00 : f32
      %broadcast_in_dim3A_177 = vector.broadcast %broadcast_in_dim3A_176 : f32 to vector<16xf32>
      %get3A_178 = arith.constant 0 : i32
      %get3A_179 = arith.index_cast %get3A_178 : i32 to index
      %get3A_180 = arith.constant 0 : index
      %get3A_181 = tpu.vector_load %arg21[%get3A_179, %get3A_180] {strides = array<i32>} : memref<16x16xf32, #tpu.memory_space<vmem>>, vector<16xf32>,
      %add3A_182 = arith.addf %broadcast_in_dim3A_177, %get3A_181 : vector<16xf32>
      %get3A_183 = arith.constant 1 : i32
      %get3A_184 = arith.index_cast %get3A_183 : i32 to index
      %get3A_185 = arith.constant 0 : index
      %get3A_186 = tpu.vector_load %arg21[%get3A_184, %get3A_185] {strides = array<i32>} : memref<16x16xf32, #tpu.memory_space<vmem>>, vector<16xf32>,
      %add3A_187 = arith.addf %add3A_182, %get3A_186 : vector<16xf32>
      %get3A_188 = arith.constant 2 : i32
      %get3A_189 = arith.index_cast %get3A_188 : i32 to index
      %get3A_190 = arith.constant 0 : index
      %get3A_191 = tpu.vector_load %arg21[%get3A_189, %get3A_190] {strides = array<i32>} : memref<16x16xf32, #tpu.memory_space<vmem>>, vector<16xf32>,
      %add3A_192 = arith.addf %add3A_187, %get3A_191 : vector<16xf32>
      %get3A_193 = arith.constant 3 : i32
      %get3A_194 = arith.index_cast %get3A_193 : i32 to index
      %get3A_195 = arith.constant 0 : index
      %get3A_196 = tpu.vector_load %arg21[%get3A_194, %get3A_195] {strides = array<i32>} : memref<16x16xf32, #tpu.memory_space<vmem>>, vector<16xf32>,
      %add3A_197 = arith.addf %add3A_192, %get3A_196 : vector<16xf32>
      %get3A_198 = arith.constant 4 : i32
      %get3A_199 = arith.index_cast %get3A_198 : i32 to index
      %get3A_200 = arith.constant 0 : index
      %get3A_201 = tpu.vector_load %arg21[%get3A_199, %get3A_200] {strides = array<i32>} : memref<16x16xf32, #tpu.memory_space<vmem>>, vector<16xf32>,
      %add3A_202 = arith.addf %add3A_197, %get3A_201 : vector<16xf32>
      %get3A_203 = arith.constant 5 : i32
      %get3A_204 = arith.index_cast %get3A_203 : i32 to index
      %get3A_205 = arith.constant 0 : index
      %get3A_206 = tpu.vector_load %arg21[%get3A_204, %get3A_205] {strides = array<i32>} : memref<16x16xf32, #tpu.memory_space<vmem>>, vector<16xf32>,
      %add3A_207 = arith.addf %add3A_202, %get3A_206 : vector<16xf32>
      %get3A_208 = arith.constant 6 : i32
      %get3A_209 = arith.index_cast %get3A_208 : i32 to index
      %get3A_210 = arith.constant 0 : index
      %get3A_211 = tpu.vector_load %arg21[%get3A_209, %get3A_210] {strides = array<i32>} : memref<16x16xf32, #tpu.memory_space<vmem>>, vector<16xf32>,
      %add3A_212 = arith.addf %add3A_207, %get3A_211 : vector<16xf32>
      %get3A_213 = arith.constant 7 : i32
      %get3A_214 = arith.index_cast %get3A_213 : i32 to index
      %get3A_215 = arith.constant 0 : index
      %get3A_216 = tpu.vector_load %arg21[%get3A_214, %get3A_215] {strides = array<i32>} : memref<16x16xf32, #tpu.memory_space<vmem>>, vector<16xf32>,
      %add3A_217 = arith.addf %add3A_212, %get3A_216 : vector<16xf32>
      %get3A_218 = arith.constant 8 : i32
      %get3A_219 = arith.index_cast %get3A_218 : i32 to index
      %get3A_220 = arith.constant 0 : index
      %get3A_221 = tpu.vector_load %arg21[%get3A_219, %get3A_220] {strides = array<i32>} : memref<16x16xf32, #tpu.memory_space<vmem>>, vector<16xf32>,
      %add3A_222 = arith.addf %add3A_217, %get3A_221 : vector<16xf32>
      %get3A_223 = arith.constant 9 : i32
      %get3A_224 = arith.index_cast %get3A_223 : i32 to index
      %get3A_225 = arith.constant 0 : index
      %get3A_226 = tpu.vector_load %arg21[%get3A_224, %get3A_225] {strides = array<i32>} : memref<16x16xf32, #tpu.memory_space<vmem>>, vector<16xf32>,
      %add3A_227 = arith.addf %add3A_222, %get3A_226 : vector<16xf32>
      %get3A_228 = arith.constant 10 : i32
      %get3A_229 = arith.index_cast %get3A_228 : i32 to index
      %get3A_230 = arith.constant 0 : index
      %get3A_231 = tpu.vector_load %arg21[%get3A_229, %get3A_230] {strides = array<i32>} : memref<16x16xf32, #tpu.memory_space<vmem>>, vector<16xf32>,
      %add3A_232 = arith.addf %add3A_227, %get3A_231 : vector<16xf32>
      %get3A_233 = arith.constant 11 : i32
      %get3A_234 = arith.index_cast %get3A_233 : i32 to index
      %get3A_235 = arith.constant 0 : index
      %get3A_236 = tpu.vector_load %arg21[%get3A_234, %get3A_235] {strides = array<i32>} : memref<16x16xf32, #tpu.memory_space<vmem>>, vector<16xf32>,
      %add3A_237 = arith.addf %add3A_232, %get3A_236 : vector<16xf32>
      %get3A_238 = arith.constant 12 : i32
      %get3A_239 = arith.index_cast %get3A_238 : i32 to index
      %get3A_240 = arith.constant 0 : index
      %get3A_241 = tpu.vector_load %arg21[%get3A_239, %get3A_240] {strides = array<i32>} : memref<16x16xf32, #tpu.memory_space<vmem>>, vector<16xf32>,
      %add3A_242 = arith.addf %add3A_237, %get3A_241 : vector<16xf32>
      %get3A_243 = arith.constant 13 : i32
      %get3A_244 = arith.index_cast %get3A_243 : i32 to index
      %get3A_245 = arith.constant 0 : index
      %get3A_246 = tpu.vector_load %arg21[%get3A_244, %get3A_245] {strides = array<i32>} : memref<16x16xf32, #tpu.memory_space<vmem>>, vector<16xf32>,
      %add3A_247 = arith.addf %add3A_242, %get3A_246 : vector<16xf32>
      %get3A_248 = arith.constant 14 : i32
      %get3A_249 = arith.index_cast %get3A_248 : i32 to index
      %get3A_250 = arith.constant 0 : index
      %get3A_251 = tpu.vector_load %arg21[%get3A_249, %get3A_250] {strides = array<i32>} : memref<16x16xf32, #tpu.memory_space<vmem>>, vector<16xf32>,
      %add3A_252 = arith.addf %add3A_247, %get3A_251 : vector<16xf32>
      %get3A_253 = arith.constant 15 : i32
      %get3A_254 = arith.index_cast %get3A_253 : i32 to index
      %get3A_255 = arith.constant 0 : index
      %get3A_256 = tpu.vector_load %arg21[%get3A_254, %get3A_255] {strides = array<i32>} : memref<16x16xf32, #tpu.memory_space<vmem>>, vector<16xf32>,
      %add3A_257 = arith.addf %add3A_252, %get3A_256 : vector<16xf32>
      %lt3A = arith.constant 5.000000e+03 : f32
      %lt3A_258 = vector.broadcast %lt3A : f32 to vector<16xf32>
      %lt3A_259 = arith.cmpf olt, %add3A_257, %lt3A_258 : vector<16xf32>
      %select_n3A = arith.select %lt3A_259, %scan3A_147, %add3A_153 : vector<16xi1>, vector<16xf32>
      %select_n3A_260 = arith.select %lt3A_259, %add3A_153, %scan3A_148 : vector<16xi1>, vector<16xf32>
      scf.yield %select_n3A, %select_n3A_260 : vector<16xf32>, vector<16xf32>
    }
    %scan3A_27 = arith.constant 48 : i32
    %broadcast_in_dim3A_28 = arith.constant 0 : i32
    %broadcast_in_dim3A_29 = vector.broadcast %broadcast_in_dim3A_28 : i32 to vector<16xi32>
    %scan3A_30 = arith.constant 0 : i32
    %scan3A_31 = arith.constant 80 : i32
    %scan3A_32 = arith.addi %scan3A_30, %scan3A_31 : i32
    %scan3A_33 = arith.constant 1 : i32
    %scan3A_34 = scf.for %scan3A_146 = %scan3A_30 to %scan3A_32 step %scan3A_33 iter_args(%scan3A_147 = %broadcast_in_dim3A_29) -> (vector<16xi32>)  : i32 {
      %mul3A_148 = arith.constant 16 : i32
      %mul3A_149 = arith.muli %scan3A_146, %mul3A_148 : i32
      %get3A_150 = arith.index_cast %mul3A_149 : i32 to index
      %get3A_151 = tpu.vector_load %arg19[%get3A_150] {strides = array<i32>} : memref<1280xf32, #tpu.memory_space<vmem>>, vector<16xf32>,
      %gt3A = arith.cmpf ogt, %get3A_151, %scan3A_26#1 : vector<16xf32>
      %all_reduce_population_count3A = tpu.all_reduce %gt3A {dim = 0 : i64, kind = #tpu.reduction_kind<sum>} : vector<16xi1> -> vector<16xi32>
      %add3A_152 = arith.addi %scan3A_147, %all_reduce_population_count3A : vector<16xi32>
      scf.yield %add3A_152 : vector<16xi32>
    }
    %scan3A_35 = arith.constant 80 : i32
    %convert_element_type3A = arith.sitofp %scan3A_34 : vector<16xi32> to vector<16xf32>
    %swap3A = arith.constant 0 : index
    %swap3A_36 = tpu.vector_load %arg22[%swap3A] {strides = array<i32>} : memref<16xf32, #tpu.memory_space<vmem>>, vector<16xf32>,
    tpu.vector_store %arg22[%swap3A], %convert_element_type3A {strides = array<i32>} : memref<16xf32, #tpu.memory_space<vmem>>, vector<16xf32>,
    %add3A_37 = arith.constant 16 : i32
    %add3A_38 = arith.addi %add3A_37, %arg1 : i32
    "tpu.region"() ({
      %run_scoped3A_146 = tpu.sem_alloc : memref<!tpu.dma_semaphore, #tpu.memory_space<semaphore_mem>>
      %dma_start3A = arith.constant 0 : i32
      %dma_start3A_147 = tpu.memref_slice %arg24[%add3A_38, %dma_start3A] : memref<64x16xf32, #tpu.memory_space<vmem_shared>> -> memref<1x16xf32, #tpu.memory_space<vmem_shared>>
      %dma_start3A_148 = tpu.memref_squeeze %dma_start3A_147 : memref<1x16xf32, #tpu.memory_space<vmem_shared>> -> memref<16xf32, #tpu.memory_space<vmem_shared>>
      %dma_start3A_149 = arith.constant 0 : i32
      %dma_start3A_150 = tpu.memref_slice %arg24[%add3A_38, %dma_start3A_149] : memref<64x16xf32, #tpu.memory_space<vmem_shared>> -> memref<1x16xf32, #tpu.memory_space<vmem_shared>>
      %dma_start3A_151 = tpu.memref_squeeze %dma_start3A_150 : memref<1x16xf32, #tpu.memory_space<vmem_shared>> -> memref<16xf32, #tpu.memory_space<vmem_shared>>
      tpu.enqueue_dma source(%arg22 : memref<16xf32, #tpu.memory_space<vmem>>) target(%dma_start3A_151 : memref<16xf32, #tpu.memory_space<vmem_shared>>) target_semaphore(%run_scoped3A_146 : memref<!tpu.dma_semaphore, #tpu.memory_space<semaphore_mem>>)
      %dma_wait3A = arith.constant 0 : i32
      %dma_wait3A_152 = tpu.memref_slice %arg24[%add3A_38, %dma_wait3A] : memref<64x16xf32, #tpu.memory_space<vmem_shared>> -> memref<1x16xf32, #tpu.memory_space<vmem_shared>>
      %dma_wait3A_153 = tpu.memref_squeeze %dma_wait3A_152 : memref<1x16xf32, #tpu.memory_space<vmem_shared>> -> memref<16xf32, #tpu.memory_space<vmem_shared>>
      %dma_wait3A_154 = arith.constant 0 : i32
      %dma_wait3A_155 = tpu.memref_slice %arg24[%add3A_38, %dma_wait3A_154] : memref<64x16xf32, #tpu.memory_space<vmem_shared>> -> memref<1x16xf32, #tpu.memory_space<vmem_shared>>
      %dma_wait3A_156 = tpu.memref_squeeze %dma_wait3A_155 : memref<1x16xf32, #tpu.memory_space<vmem_shared>> -> memref<16xf32, #tpu.memory_space<vmem_shared>>
      tpu.wait_dma2 semaphore(%run_scoped3A_146 : memref<!tpu.dma_semaphore, #tpu.memory_space<semaphore_mem>>) src(%arg22 : memref<16xf32, #tpu.memory_space<vmem>>) dst(%dma_wait3A_156 : memref<16xf32, #tpu.memory_space<vmem_shared>>)
      tpu.yield
    }) : () -> ()
    %barrier3A = arith.constant 0 : index
    tpu.barrier barrier_id(%barrier3A)
    "tpu.region"() ({
      %run_scoped3A_146 = tpu.sem_alloc : memref<!tpu.dma_semaphore, #tpu.memory_space<semaphore_mem>>
      %dma_start3A = arith.constant 16 : i32
      %dma_start3A_147 = arith.constant 0 : i32
      %dma_start3A_148 = tpu.memref_slice %arg24[%dma_start3A, %dma_start3A_147] : memref<64x16xf32, #tpu.memory_space<vmem_shared>> -> memref<16x16xf32, #tpu.memory_space<vmem_shared>>
      %dma_start3A_149 = arith.constant 16 : i32
      %dma_start3A_150 = arith.constant 0 : i32
      %dma_start3A_151 = tpu.memref_slice %arg24[%dma_start3A_149, %dma_start3A_150] : memref<64x16xf32, #tpu.memory_space<vmem_shared>> -> memref<16x16xf32, #tpu.memory_space<vmem_shared>>
      tpu.enqueue_dma source(%dma_start3A_151 : memref<16x16xf32, #tpu.memory_space<vmem_shared>>) target(%arg21 : memref<16x16xf32, #tpu.memory_space<vmem>>) target_semaphore(%run_scoped3A_146 : memref<!tpu.dma_semaphore, #tpu.memory_space<semaphore_mem>>)
      %dma_wait3A = arith.constant 16 : i32
      %dma_wait3A_152 = arith.constant 0 : i32
      %dma_wait3A_153 = tpu.memref_slice %arg24[%dma_wait3A, %dma_wait3A_152] : memref<64x16xf32, #tpu.memory_space<vmem_shared>> -> memref<16x16xf32, #tpu.memory_space<vmem_shared>>
      %dma_wait3A_154 = arith.constant 16 : i32
      %dma_wait3A_155 = arith.constant 0 : i32
      %dma_wait3A_156 = tpu.memref_slice %arg24[%dma_wait3A_154, %dma_wait3A_155] : memref<64x16xf32, #tpu.memory_space<vmem_shared>> -> memref<16x16xf32, #tpu.memory_space<vmem_shared>>
      tpu.wait_dma2 semaphore(%run_scoped3A_146 : memref<!tpu.dma_semaphore, #tpu.memory_space<semaphore_mem>>) src(%dma_wait3A_156 : memref<16x16xf32, #tpu.memory_space<vmem_shared>>) dst(%arg21 : memref<16x16xf32, #tpu.memory_space<vmem>>)
      tpu.yield
    }) : () -> ()
    %broadcast_in_dim3A_39 = arith.constant 0.000000e+00 : f32
    %broadcast_in_dim3A_40 = vector.broadcast %broadcast_in_dim3A_39 : f32 to vector<16xf32>
    %get3A = arith.constant 0 : i32
    %get3A_41 = arith.index_cast %get3A : i32 to index
    %get3A_42 = arith.constant 0 : index
    %get3A_43 = tpu.vector_load %arg21[%get3A_41, %get3A_42] {strides = array<i32>} : memref<16x16xf32, #tpu.memory_space<vmem>>, vector<16xf32>,
    %add3A_44 = arith.addf %broadcast_in_dim3A_40, %get3A_43 : vector<16xf32>
    %get3A_45 = arith.constant 1 : i32
    %get3A_46 = arith.index_cast %get3A_45 : i32 to index
    %get3A_47 = arith.constant 0 : index
    %get3A_48 = tpu.vector_load %arg21[%get3A_46, %get3A_47] {strides = array<i32>} : memref<16x16xf32, #tpu.memory_space<vmem>>, vector<16xf32>,
    %add3A_49 = arith.addf %add3A_44, %get3A_48 : vector<16xf32>
    %get3A_50 = arith.constant 2 : i32
    %get3A_51 = arith.index_cast %get3A_50 : i32 to index
    %get3A_52 = arith.constant 0 : index
    %get3A_53 = tpu.vector_load %arg21[%get3A_51, %get3A_52] {strides = array<i32>} : memref<16x16xf32, #tpu.memory_space<vmem>>, vector<16xf32>,
    %add3A_54 = arith.addf %add3A_49, %get3A_53 : vector<16xf32>
    %get3A_55 = arith.constant 3 : i32
    %get3A_56 = arith.index_cast %get3A_55 : i32 to index
    %get3A_57 = arith.constant 0 : index
    %get3A_58 = tpu.vector_load %arg21[%get3A_56, %get3A_57] {strides = array<i32>} : memref<16x16xf32, #tpu.memory_space<vmem>>, vector<16xf32>,
    %add3A_59 = arith.addf %add3A_54, %get3A_58 : vector<16xf32>
    %get3A_60 = arith.constant 4 : i32
    %get3A_61 = arith.index_cast %get3A_60 : i32 to index
    %get3A_62 = arith.constant 0 : index
    %get3A_63 = tpu.vector_load %arg21[%get3A_61, %get3A_62] {strides = array<i32>} : memref<16x16xf32, #tpu.memory_space<vmem>>, vector<16xf32>,
    %add3A_64 = arith.addf %add3A_59, %get3A_63 : vector<16xf32>
    %get3A_65 = arith.constant 5 : i32
    %get3A_66 = arith.index_cast %get3A_65 : i32 to index
    %get3A_67 = arith.constant 0 : index
    %get3A_68 = tpu.vector_load %arg21[%get3A_66, %get3A_67] {strides = array<i32>} : memref<16x16xf32, #tpu.memory_space<vmem>>, vector<16xf32>,
    %add3A_69 = arith.addf %add3A_64, %get3A_68 : vector<16xf32>
    %get3A_70 = arith.constant 6 : i32
    %get3A_71 = arith.index_cast %get3A_70 : i32 to index
    %get3A_72 = arith.constant 0 : index
    %get3A_73 = tpu.vector_load %arg21[%get3A_71, %get3A_72] {strides = array<i32>} : memref<16x16xf32, #tpu.memory_space<vmem>>, vector<16xf32>,
    %add3A_74 = arith.addf %add3A_69, %get3A_73 : vector<16xf32>
    %get3A_75 = arith.constant 7 : i32
    %get3A_76 = arith.index_cast %get3A_75 : i32 to index
    %get3A_77 = arith.constant 0 : index
    %get3A_78 = tpu.vector_load %arg21[%get3A_76, %get3A_77] {strides = array<i32>} : memref<16x16xf32, #tpu.memory_space<vmem>>, vector<16xf32>,
    %add3A_79 = arith.addf %add3A_74, %get3A_78 : vector<16xf32>
    %get3A_80 = arith.constant 8 : i32
    %get3A_81 = arith.index_cast %get3A_80 : i32 to index
    %get3A_82 = arith.constant 0 : index
    %get3A_83 = tpu.vector_load %arg21[%get3A_81, %get3A_82] {strides = array<i32>} : memref<16x16xf32, #tpu.memory_space<vmem>>, vector<16xf32>,
    %add3A_84 = arith.addf %add3A_79, %get3A_83 : vector<16xf32>
    %get3A_85 = arith.constant 9 : i32
    %get3A_86 = arith.index_cast %get3A_85 : i32 to index
    %get3A_87 = arith.constant 0 : index
    %get3A_88 = tpu.vector_load %arg21[%get3A_86, %get3A_87] {strides = array<i32>} : memref<16x16xf32, #tpu.memory_space<vmem>>, vector<16xf32>,
    %add3A_89 = arith.addf %add3A_84, %get3A_88 : vector<16xf32>
    %get3A_90 = arith.constant 10 : i32
    %get3A_91 = arith.index_cast %get3A_90 : i32 to index
    %get3A_92 = arith.constant 0 : index
    %get3A_93 = tpu.vector_load %arg21[%get3A_91, %get3A_92] {strides = array<i32>} : memref<16x16xf32, #tpu.memory_space<vmem>>, vector<16xf32>,
    %add3A_94 = arith.addf %add3A_89, %get3A_93 : vector<16xf32>
    %get3A_95 = arith.constant 11 : i32
    %get3A_96 = arith.index_cast %get3A_95 : i32 to index
    %get3A_97 = arith.constant 0 : index
    %get3A_98 = tpu.vector_load %arg21[%get3A_96, %get3A_97] {strides = array<i32>} : memref<16x16xf32, #tpu.memory_space<vmem>>, vector<16xf32>,
    %add3A_99 = arith.addf %add3A_94, %get3A_98 : vector<16xf32>
    %get3A_100 = arith.constant 12 : i32
    %get3A_101 = arith.index_cast %get3A_100 : i32 to index
    %get3A_102 = arith.constant 0 : index
    %get3A_103 = tpu.vector_load %arg21[%get3A_101, %get3A_102] {strides = array<i32>} : memref<16x16xf32, #tpu.memory_space<vmem>>, vector<16xf32>,
    %add3A_104 = arith.addf %add3A_99, %get3A_103 : vector<16xf32>
    %get3A_105 = arith.constant 13 : i32
    %get3A_106 = arith.index_cast %get3A_105 : i32 to index
    %get3A_107 = arith.constant 0 : index
    %get3A_108 = tpu.vector_load %arg21[%get3A_106, %get3A_107] {strides = array<i32>} : memref<16x16xf32, #tpu.memory_space<vmem>>, vector<16xf32>,
    %add3A_109 = arith.addf %add3A_104, %get3A_108 : vector<16xf32>
    %get3A_110 = arith.constant 14 : i32
    %get3A_111 = arith.index_cast %get3A_110 : i32 to index
    %get3A_112 = arith.constant 0 : index
    %get3A_113 = tpu.vector_load %arg21[%get3A_111, %get3A_112] {strides = array<i32>} : memref<16x16xf32, #tpu.memory_space<vmem>>, vector<16xf32>,
    %add3A_114 = arith.addf %add3A_109, %get3A_113 : vector<16xf32>
    %get3A_115 = arith.constant 15 : i32
    %get3A_116 = arith.index_cast %get3A_115 : i32 to index
    %get3A_117 = arith.constant 0 : index
    %get3A_118 = tpu.vector_load %arg21[%get3A_116, %get3A_117] {strides = array<i32>} : memref<16x16xf32, #tpu.memory_space<vmem>>, vector<16xf32>,
    %add3A_119 = arith.addf %add3A_114, %get3A_118 : vector<16xf32>
    %sub3A = arith.constant 5.000000e+03 : f32
    %sub3A_120 = vector.broadcast %sub3A : f32 to vector<16xf32>
    %sub3A_121 = arith.subf %sub3A_120, %add3A_119 : vector<16xf32>
    %broadcast_in_dim3A_122 = arith.constant 0 : i32
    %broadcast_in_dim3A_123 = vector.broadcast %broadcast_in_dim3A_122 : i32 to vector<16xi32>
    %add3A_124 = arith.constant 20480 : i32
    %add3A_125 = vector.broadcast %add3A_124 : i32 to vector<16xi32>
    %add3A_126 = arith.addi %broadcast_in_dim3A_123, %add3A_125 : vector<16xi32>
    %scan3A_127 = arith.constant 0 : i32
    %scan3A_128 = arith.constant 16 : i32
    %scan3A_129 = arith.addi %scan3A_127, %scan3A_128 : i32
    %scan3A_130 = arith.constant 1 : i32
    %scan3A_131:2 = scf.for %scan3A_146 = %scan3A_127 to %scan3A_129 step %scan3A_130 iter_args(%scan3A_147 = %broadcast_in_dim3A_123, %scan3A_148 = %add3A_126) -> (vector<16xi32>, vector<16xi32>)  : i32 {
      %sub3A_149 = arith.subi %scan3A_148, %scan3A_147 : vector<16xi32>
      %jit3A = arith.constant 2 : i32
      %div3A = vector.broadcast %jit3A : i32 to vector<16xi32>
      %div3A_150 = arith.divsi %sub3A_149, %div3A : vector<16xi32>
      %sign3A = arith.constant 0 : i32
      %sign3A_151 = vector.broadcast %sign3A : i32 to vector<16xi32>
      %sign3A_152 = arith.cmpi sgt, %sub3A_149, %sign3A_151 : vector<16xi32>
      %sign3A_153 = arith.extui %sign3A_152 : vector<16xi1> to vector<16xi32>
      %sign3A_154 = arith.constant 0 : i32
      %sign3A_155 = vector.broadcast %sign3A_154 : i32 to vector<16xi32>
      %sign3A_156 = arith.cmpi slt, %sub3A_149, %sign3A_155 : vector<16xi32>
      %sign3A_157 = arith.extui %sign3A_156 : vector<16xi1> to vector<16xi32>
      %sign3A_158 = arith.subi %sign3A_153, %sign3A_157 : vector<16xi32>
      %sign3A_159 = arith.constant 0 : i32
      %sign3A_160 = arith.cmpi sgt, %jit3A, %sign3A_159 : i32
      %sign3A_161 = arith.extui %sign3A_160 : i1 to i32
      %sign3A_162 = arith.constant 0 : i32
      %sign3A_163 = arith.cmpi slt, %jit3A, %sign3A_162 : i32
      %sign3A_164 = arith.extui %sign3A_163 : i1 to i32
      %sign3A_165 = arith.subi %sign3A_161, %sign3A_164 : i32
      %ne3A = vector.broadcast %sign3A_165 : i32 to vector<16xi32>
      %ne3A_166 = arith.cmpi ne, %sign3A_158, %ne3A : vector<16xi32>
      %rem3A = vector.broadcast %jit3A : i32 to vector<16xi32>
      %rem3A_167 = arith.remsi %sub3A_149, %rem3A : vector<16xi32>
      %ne3A_168 = arith.constant 0 : i32
      %ne3A_169 = vector.broadcast %ne3A_168 : i32 to vector<16xi32>
      %ne3A_170 = arith.cmpi ne, %rem3A_167, %ne3A_169 : vector<16xi32>
      %and3A = arith.andi %ne3A_166, %ne3A_170 : vector<16xi1>
      %sub3A_171 = arith.constant 1 : i32
      %sub3A_172 = vector.broadcast %sub3A_171 : i32 to vector<16xi32>
      %sub3A_173 = arith.subi %div3A_150, %sub3A_172 : vector<16xi32>
      %select_n3A = arith.select %and3A, %sub3A_173, %div3A_150 : vector<16xi1>, vector<16xi32>
      %add3A_174 = arith.addi %scan3A_147, %select_n3A : vector<16xi32>
      %broadcast_in_dim3A_175 = arith.constant 0 : i32
      %broadcast_in_dim3A_176 = vector.broadcast %broadcast_in_dim3A_175 : i32 to vector<16xi32>
      %scan3A_177 = arith.constant 0 : i32
      %scan3A_178 = arith.constant 80 : i32
      %scan3A_179 = arith.addi %scan3A_177, %scan3A_178 : i32
      %scan3A_180 = arith.constant 1 : i32
      %scan3A_181 = scf.for %scan3A_285 = %scan3A_177 to %scan3A_179 step %scan3A_180 iter_args(%scan3A_286 = %broadcast_in_dim3A_176) -> (vector<16xi32>)  : i32 {
        %mul3A_287 = arith.constant 16 : i32
        %mul3A_288 = arith.muli %scan3A_285, %mul3A_287 : i32
        %get3A_289 = arith.index_cast %mul3A_288 : i32 to index
        %get3A_290 = tpu.vector_load %arg19[%get3A_289] {strides = array<i32>} : memref<1280xf32, #tpu.memory_space<vmem>>, vector<16xf32>,
        %mul3A_291 = arith.constant 16 : i32
        %mul3A_292 = arith.muli %scan3A_285, %mul3A_291 : i32
        %add3A_293 = arith.addi %mul3A_0, %mul3A_292 : i32
        %add3A_294 = vector.broadcast %add3A_293 : i32 to vector<16xi32>
        %add3A_295 = arith.addi %add3A_294, %iota3A : vector<16xi32>
        %eq3A = arith.cmpf oeq, %get3A_290, %scan3A_26#1 : vector<16xf32>
        %ge3A = arith.cmpi sge, %add3A_295, %add3A_174 : vector<16xi32>
        %and3A_296 = arith.andi %eq3A, %ge3A : vector<16xi1>
        %all_reduce_population_count3A = tpu.all_reduce %and3A_296 {dim = 0 : i64, kind = #tpu.reduction_kind<sum>} : vector<16xi1> -> vector<16xi32>
        %add3A_297 = arith.addi %scan3A_286, %all_reduce_population_count3A : vector<16xi32>
        scf.yield %add3A_297 : vector<16xi32>
      }
      %scan3A_182 = arith.constant 80 : i32
      %and3A_183 = arith.constant 1 : i32
      %and3A_184 = arith.andi %scan3A_146, %and3A_183 : i32
      %convert_element_type3A_185 = arith.sitofp %scan3A_181 : vector<16xi32> to vector<16xf32>
      %swap3A_186 = arith.constant 0 : index
      %swap3A_187 = tpu.vector_load %arg22[%swap3A_186] {strides = array<i32>} : memref<16xf32, #tpu.memory_space<vmem>>, vector<16xf32>,
      tpu.vector_store %arg22[%swap3A_186], %convert_element_type3A_185 {strides = array<i32>} : memref<16xf32, #tpu.memory_space<vmem>>, vector<16xf32>,
      %mul3A_188 = arith.constant 16 : i32
      %mul3A_189 = arith.muli %and3A_184, %mul3A_188 : i32
      %add3A_190 = arith.constant 0 : i32
      %add3A_191 = arith.addi %add3A_190, %mul3A_189 : i32
      %add3A_192 = arith.addi %add3A_191, %arg1 : i32
      "tpu.region"() ({
        %run_scoped3A_285 = tpu.sem_alloc : memref<!tpu.dma_semaphore, #tpu.memory_space<semaphore_mem>>
        %dma_start3A = arith.constant 0 : i32
        %dma_start3A_286 = tpu.memref_slice %arg24[%add3A_192, %dma_start3A] : memref<64x16xf32, #tpu.memory_space<vmem_shared>> -> memref<1x16xf32, #tpu.memory_space<vmem_shared>>
        %dma_start3A_287 = tpu.memref_squeeze %dma_start3A_286 : memref<1x16xf32, #tpu.memory_space<vmem_shared>> -> memref<16xf32, #tpu.memory_space<vmem_shared>>
        %dma_start3A_288 = arith.constant 0 : i32
        %dma_start3A_289 = tpu.memref_slice %arg24[%add3A_192, %dma_start3A_288] : memref<64x16xf32, #tpu.memory_space<vmem_shared>> -> memref<1x16xf32, #tpu.memory_space<vmem_shared>>
        %dma_start3A_290 = tpu.memref_squeeze %dma_start3A_289 : memref<1x16xf32, #tpu.memory_space<vmem_shared>> -> memref<16xf32, #tpu.memory_space<vmem_shared>>
        tpu.enqueue_dma source(%arg22 : memref<16xf32, #tpu.memory_space<vmem>>) target(%dma_start3A_290 : memref<16xf32, #tpu.memory_space<vmem_shared>>) target_semaphore(%run_scoped3A_285 : memref<!tpu.dma_semaphore, #tpu.memory_space<semaphore_mem>>)
        %dma_wait3A = arith.constant 0 : i32
        %dma_wait3A_291 = tpu.memref_slice %arg24[%add3A_192, %dma_wait3A] : memref<64x16xf32, #tpu.memory_space<vmem_shared>> -> memref<1x16xf32, #tpu.memory_space<vmem_shared>>
        %dma_wait3A_292 = tpu.memref_squeeze %dma_wait3A_291 : memref<1x16xf32, #tpu.memory_space<vmem_shared>> -> memref<16xf32, #tpu.memory_space<vmem_shared>>
        %dma_wait3A_293 = arith.constant 0 : i32
        %dma_wait3A_294 = tpu.memref_slice %arg24[%add3A_192, %dma_wait3A_293] : memref<64x16xf32, #tpu.memory_space<vmem_shared>> -> memref<1x16xf32, #tpu.memory_space<vmem_shared>>
        %dma_wait3A_295 = tpu.memref_squeeze %dma_wait3A_294 : memref<1x16xf32, #tpu.memory_space<vmem_shared>> -> memref<16xf32, #tpu.memory_space<vmem_shared>>
        tpu.wait_dma2 semaphore(%run_scoped3A_285 : memref<!tpu.dma_semaphore, #tpu.memory_space<semaphore_mem>>) src(%arg22 : memref<16xf32, #tpu.memory_space<vmem>>) dst(%dma_wait3A_295 : memref<16xf32, #tpu.memory_space<vmem_shared>>)
        tpu.yield
      }) : () -> ()
      %barrier3A_193 = arith.constant 0 : index
      tpu.barrier barrier_id(%barrier3A_193)
      %mul3A_194 = arith.constant 16 : i32
      %mul3A_195 = arith.muli %and3A_184, %mul3A_194 : i32
      %add3A_196 = arith.constant 0 : i32
      %add3A_197 = arith.addi %add3A_196, %mul3A_195 : i32
      "tpu.region"() ({
        %run_scoped3A_285 = tpu.sem_alloc : memref<!tpu.dma_semaphore, #tpu.memory_space<semaphore_mem>>
        %dma_start3A = arith.constant 0 : i32
        %dma_start3A_286 = tpu.memref_slice %arg24[%add3A_197, %dma_start3A] : memref<64x16xf32, #tpu.memory_space<vmem_shared>> -> memref<16x16xf32, #tpu.memory_space<vmem_shared>>
        %dma_start3A_287 = arith.constant 0 : i32
        %dma_start3A_288 = tpu.memref_slice %arg24[%add3A_197, %dma_start3A_287] : memref<64x16xf32, #tpu.memory_space<vmem_shared>> -> memref<16x16xf32, #tpu.memory_space<vmem_shared>>
        tpu.enqueue_dma source(%dma_start3A_288 : memref<16x16xf32, #tpu.memory_space<vmem_shared>>) target(%arg21 : memref<16x16xf32, #tpu.memory_space<vmem>>) target_semaphore(%run_scoped3A_285 : memref<!tpu.dma_semaphore, #tpu.memory_space<semaphore_mem>>)
        %dma_wait3A = arith.constant 0 : i32
        %dma_wait3A_289 = tpu.memref_slice %arg24[%add3A_197, %dma_wait3A] : memref<64x16xf32, #tpu.memory_space<vmem_shared>> -> memref<16x16xf32, #tpu.memory_space<vmem_shared>>
        %dma_wait3A_290 = arith.constant 0 : i32
        %dma_wait3A_291 = tpu.memref_slice %arg24[%add3A_197, %dma_wait3A_290] : memref<64x16xf32, #tpu.memory_space<vmem_shared>> -> memref<16x16xf32, #tpu.memory_space<vmem_shared>>
        tpu.wait_dma2 semaphore(%run_scoped3A_285 : memref<!tpu.dma_semaphore, #tpu.memory_space<semaphore_mem>>) src(%dma_wait3A_291 : memref<16x16xf32, #tpu.memory_space<vmem_shared>>) dst(%arg21 : memref<16x16xf32, #tpu.memory_space<vmem>>)
        tpu.yield
      }) : () -> ()
      %broadcast_in_dim3A_198 = arith.constant 0.000000e+00 : f32
      %broadcast_in_dim3A_199 = vector.broadcast %broadcast_in_dim3A_198 : f32 to vector<16xf32>
      %get3A_200 = arith.constant 0 : i32
      %get3A_201 = arith.index_cast %get3A_200 : i32 to index
      %get3A_202 = arith.constant 0 : index
      %get3A_203 = tpu.vector_load %arg21[%get3A_201, %get3A_202] {strides = array<i32>} : memref<16x16xf32, #tpu.memory_space<vmem>>, vector<16xf32>,
      %add3A_204 = arith.addf %broadcast_in_dim3A_199, %get3A_203 : vector<16xf32>
      %get3A_205 = arith.constant 1 : i32
      %get3A_206 = arith.index_cast %get3A_205 : i32 to index
      %get3A_207 = arith.constant 0 : index
      %get3A_208 = tpu.vector_load %arg21[%get3A_206, %get3A_207] {strides = array<i32>} : memref<16x16xf32, #tpu.memory_space<vmem>>, vector<16xf32>,
      %add3A_209 = arith.addf %add3A_204, %get3A_208 : vector<16xf32>
      %get3A_210 = arith.constant 2 : i32
      %get3A_211 = arith.index_cast %get3A_210 : i32 to index
      %get3A_212 = arith.constant 0 : index
      %get3A_213 = tpu.vector_load %arg21[%get3A_211, %get3A_212] {strides = array<i32>} : memref<16x16xf32, #tpu.memory_space<vmem>>, vector<16xf32>,
      %add3A_214 = arith.addf %add3A_209, %get3A_213 : vector<16xf32>
      %get3A_215 = arith.constant 3 : i32
      %get3A_216 = arith.index_cast %get3A_215 : i32 to index
      %get3A_217 = arith.constant 0 : index
      %get3A_218 = tpu.vector_load %arg21[%get3A_216, %get3A_217] {strides = array<i32>} : memref<16x16xf32, #tpu.memory_space<vmem>>, vector<16xf32>,
      %add3A_219 = arith.addf %add3A_214, %get3A_218 : vector<16xf32>
      %get3A_220 = arith.constant 4 : i32
      %get3A_221 = arith.index_cast %get3A_220 : i32 to index
      %get3A_222 = arith.constant 0 : index
      %get3A_223 = tpu.vector_load %arg21[%get3A_221, %get3A_222] {strides = array<i32>} : memref<16x16xf32, #tpu.memory_space<vmem>>, vector<16xf32>,
      %add3A_224 = arith.addf %add3A_219, %get3A_223 : vector<16xf32>
      %get3A_225 = arith.constant 5 : i32
      %get3A_226 = arith.index_cast %get3A_225 : i32 to index
      %get3A_227 = arith.constant 0 : index
      %get3A_228 = tpu.vector_load %arg21[%get3A_226, %get3A_227] {strides = array<i32>} : memref<16x16xf32, #tpu.memory_space<vmem>>, vector<16xf32>,
      %add3A_229 = arith.addf %add3A_224, %get3A_228 : vector<16xf32>
      %get3A_230 = arith.constant 6 : i32
      %get3A_231 = arith.index_cast %get3A_230 : i32 to index
      %get3A_232 = arith.constant 0 : index
      %get3A_233 = tpu.vector_load %arg21[%get3A_231, %get3A_232] {strides = array<i32>} : memref<16x16xf32, #tpu.memory_space<vmem>>, vector<16xf32>,
      %add3A_234 = arith.addf %add3A_229, %get3A_233 : vector<16xf32>
      %get3A_235 = arith.constant 7 : i32
      %get3A_236 = arith.index_cast %get3A_235 : i32 to index
      %get3A_237 = arith.constant 0 : index
      %get3A_238 = tpu.vector_load %arg21[%get3A_236, %get3A_237] {strides = array<i32>} : memref<16x16xf32, #tpu.memory_space<vmem>>, vector<16xf32>,
      %add3A_239 = arith.addf %add3A_234, %get3A_238 : vector<16xf32>
      %get3A_240 = arith.constant 8 : i32
      %get3A_241 = arith.index_cast %get3A_240 : i32 to index
      %get3A_242 = arith.constant 0 : index
      %get3A_243 = tpu.vector_load %arg21[%get3A_241, %get3A_242] {strides = array<i32>} : memref<16x16xf32, #tpu.memory_space<vmem>>, vector<16xf32>,
      %add3A_244 = arith.addf %add3A_239, %get3A_243 : vector<16xf32>
      %get3A_245 = arith.constant 9 : i32
      %get3A_246 = arith.index_cast %get3A_245 : i32 to index
      %get3A_247 = arith.constant 0 : index
      %get3A_248 = tpu.vector_load %arg21[%get3A_246, %get3A_247] {strides = array<i32>} : memref<16x16xf32, #tpu.memory_space<vmem>>, vector<16xf32>,
      %add3A_249 = arith.addf %add3A_244, %get3A_248 : vector<16xf32>
      %get3A_250 = arith.constant 10 : i32
      %get3A_251 = arith.index_cast %get3A_250 : i32 to index
      %get3A_252 = arith.constant 0 : index
      %get3A_253 = tpu.vector_load %arg21[%get3A_251, %get3A_252] {strides = array<i32>} : memref<16x16xf32, #tpu.memory_space<vmem>>, vector<16xf32>,
      %add3A_254 = arith.addf %add3A_249, %get3A_253 : vector<16xf32>
      %get3A_255 = arith.constant 11 : i32
      %get3A_256 = arith.index_cast %get3A_255 : i32 to index
      %get3A_257 = arith.constant 0 : index
      %get3A_258 = tpu.vector_load %arg21[%get3A_256, %get3A_257] {strides = array<i32>} : memref<16x16xf32, #tpu.memory_space<vmem>>, vector<16xf32>,
      %add3A_259 = arith.addf %add3A_254, %get3A_258 : vector<16xf32>
      %get3A_260 = arith.constant 12 : i32
      %get3A_261 = arith.index_cast %get3A_260 : i32 to index
      %get3A_262 = arith.constant 0 : index
      %get3A_263 = tpu.vector_load %arg21[%get3A_261, %get3A_262] {strides = array<i32>} : memref<16x16xf32, #tpu.memory_space<vmem>>, vector<16xf32>,
      %add3A_264 = arith.addf %add3A_259, %get3A_263 : vector<16xf32>
      %get3A_265 = arith.constant 13 : i32
      %get3A_266 = arith.index_cast %get3A_265 : i32 to index
      %get3A_267 = arith.constant 0 : index
      %get3A_268 = tpu.vector_load %arg21[%get3A_266, %get3A_267] {strides = array<i32>} : memref<16x16xf32, #tpu.memory_space<vmem>>, vector<16xf32>,
      %add3A_269 = arith.addf %add3A_264, %get3A_268 : vector<16xf32>
      %get3A_270 = arith.constant 14 : i32
      %get3A_271 = arith.index_cast %get3A_270 : i32 to index
      %get3A_272 = arith.constant 0 : index
      %get3A_273 = tpu.vector_load %arg21[%get3A_271, %get3A_272] {strides = array<i32>} : memref<16x16xf32, #tpu.memory_space<vmem>>, vector<16xf32>,
      %add3A_274 = arith.addf %add3A_269, %get3A_273 : vector<16xf32>
      %get3A_275 = arith.constant 15 : i32
      %get3A_276 = arith.index_cast %get3A_275 : i32 to index
      %get3A_277 = arith.constant 0 : index
      %get3A_278 = tpu.vector_load %arg21[%get3A_276, %get3A_277] {strides = array<i32>} : memref<16x16xf32, #tpu.memory_space<vmem>>, vector<16xf32>,
      %add3A_279 = arith.addf %add3A_274, %get3A_278 : vector<16xf32>
      %le3A = arith.cmpf ole, %add3A_279, %sub3A_121 : vector<16xf32>
      %add3A_280 = arith.constant 1 : i32
      %add3A_281 = vector.broadcast %add3A_280 : i32 to vector<16xi32>
      %add3A_282 = arith.addi %add3A_174, %add3A_281 : vector<16xi32>
      %select_n3A_283 = arith.select %le3A, %scan3A_147, %add3A_282 : vector<16xi1>, vector<16xi32>
      %select_n3A_284 = arith.select %le3A, %add3A_174, %scan3A_148 : vector<16xi1>, vector<16xi32>
      scf.yield %select_n3A_283, %select_n3A_284 : vector<16xi32>, vector<16xi32>
    }
    %scan3A_132 = arith.constant 16 : i32
    %scan3A_133 = arith.constant 0 : i32
    %scan3A_134 = arith.constant 0 : i32
    %scan3A_135 = arith.constant 80 : i32
    %scan3A_136 = arith.addi %scan3A_134, %scan3A_135 : i32
    %scan3A_137 = arith.constant 1 : i32
    scf.for %scan3A_146 = %scan3A_134 to %scan3A_136 step %scan3A_137  : i32 {
      %mul3A_147 = arith.constant 16 : i32
      %mul3A_148 = arith.muli %scan3A_146, %mul3A_147 : i32
      %get3A_149 = arith.index_cast %mul3A_148 : i32 to index
      %get3A_150 = tpu.vector_load %arg19[%get3A_149] {strides = array<i32>} : memref<1280xf32, #tpu.memory_space<vmem>>, vector<16xf32>,
      %mul3A_151 = arith.constant 16 : i32
      %mul3A_152 = arith.muli %scan3A_146, %mul3A_151 : i32
      %add3A_153 = arith.addi %mul3A_0, %mul3A_152 : i32
      %add3A_154 = vector.broadcast %add3A_153 : i32 to vector<16xi32>
      %add3A_155 = arith.addi %add3A_154, %iota3A : vector<16xi32>
      %gt3A = arith.cmpf ogt, %get3A_150, %scan3A_26#1 : vector<16xf32>
      %eq3A = arith.cmpf oeq, %get3A_150, %scan3A_26#1 : vector<16xf32>
      %ge3A = arith.cmpi sge, %add3A_155, %scan3A_131#1 : vector<16xi32>
      %and3A = arith.andi %eq3A, %ge3A : vector<16xi1>
      %or3A = arith.ori %gt3A, %and3A : vector<16xi1>
      %jit3A = arith.constant -1.000000e+00 : f32
      %broadcast_in_dim3A_156 = vector.broadcast %jit3A : f32 to vector<16xf32>
      %select_n3A = arith.select %or3A, %get3A_150, %broadcast_in_dim3A_156 : vector<16xi1>, vector<16xf32>
      %swap3A_157 = arith.index_cast %mul3A_148 : i32 to index
      %swap3A_158 = tpu.vector_load %arg19[%swap3A_157] {strides = array<i32>} : memref<1280xf32, #tpu.memory_space<vmem>>, vector<16xf32>,
      tpu.vector_store %arg19[%swap3A_157], %select_n3A {strides = array<i32>} : memref<1280xf32, #tpu.memory_space<vmem>>, vector<16xf32>,
    }
    %scan3A_138 = arith.constant 80 : i32
    %while3A = arith.constant 0 : i32
    %while3A_139 = arith.constant 0 : i32
    %while3A_140 = arith.constant true
    %while3A_141:3 = scf.while (%while3A_146 = %while3A, %while3A_147 = %while3A_139, %while3A_148 = %while3A_140) : (i32, i32, i1) -> (i32, i32, i1) {
      scf.condition(%while3A_148) %while3A_146, %while3A_147, %while3A_148 : i32, i32, i1
    } do {
    ^bb0(%while3A_146: i32, %while3A_147: i32, %while3A_148: i1):
      %broadcast_in_dim3A_149 = arith.constant -2.000000e+00 : f32
      %broadcast_in_dim3A_150 = vector.broadcast %broadcast_in_dim3A_149 : f32 to vector<16xf32>
      %broadcast_in_dim3A_151 = arith.constant 0 : i32
      %broadcast_in_dim3A_152 = vector.broadcast %broadcast_in_dim3A_151 : i32 to vector<16xi32>
      %scan3A_153 = arith.constant 0 : i32
      %scan3A_154 = arith.constant 80 : i32
      %scan3A_155 = arith.addi %scan3A_153, %scan3A_154 : i32
      %scan3A_156 = arith.constant 1 : i32
      %scan3A_157:2 = scf.for %scan3A_574 = %scan3A_153 to %scan3A_155 step %scan3A_156 iter_args(%scan3A_575 = %broadcast_in_dim3A_150, %scan3A_576 = %broadcast_in_dim3A_152) -> (vector<16xf32>, vector<16xi32>)  : i32 {
        %mul3A_577 = arith.constant 16 : i32
        %mul3A_578 = arith.muli %scan3A_574, %mul3A_577 : i32
        %get3A_579 = arith.index_cast %mul3A_578 : i32 to index
        %get3A_580 = tpu.vector_load %arg19[%get3A_579] {strides = array<i32>} : memref<1280xf32, #tpu.memory_space<vmem>>, vector<16xf32>,
        %mul3A_581 = arith.constant 16 : i32
        %mul3A_582 = arith.muli %scan3A_574, %mul3A_581 : i32
        %add3A_583 = vector.broadcast %mul3A_582 : i32 to vector<16xi32>
        %add3A_584 = arith.addi %add3A_583, %iota3A : vector<16xi32>
        %ge3A_585 = arith.cmpf oge, %get3A_580, %scan3A_575 : vector<16xf32>
        %select_n3A_586 = arith.select %ge3A_585, %get3A_580, %scan3A_575 : vector<16xi1>, vector<16xf32>
        %select_n3A_587 = arith.select %ge3A_585, %add3A_584, %scan3A_576 : vector<16xi1>, vector<16xi32>
        scf.yield %select_n3A_586, %select_n3A_587 : vector<16xf32>, vector<16xi32>
      }
      %scan3A_158 = arith.constant 80 : i32
      %slice3A = vector.extract_strided_slice %scan3A_157#0 {offsets = [0], sizes = [1], strides = [1]} : vector<16xf32> to vector<1xf32>
      %squeeze3A = vector.extract %slice3A[0] : f32 from vector<1xf32>
      %slice3A_159 = vector.extract_strided_slice %scan3A_157#1 {offsets = [0], sizes = [1], strides = [1]} : vector<16xi32> to vector<1xi32>
      %squeeze3A_160 = vector.extract %slice3A_159[0] : i32 from vector<1xi32>
      %gt3A = arith.constant -2.000000e+00 : f32
      %gt3A_161 = arith.cmpf ogt, %squeeze3A, %gt3A : f32
      %eq3A = arith.constant -2.000000e+00 : f32
      %eq3A_162 = arith.cmpf oeq, %squeeze3A, %eq3A : f32
      %gt3A_163 = arith.constant 0 : i32
      %gt3A_164 = arith.cmpi sgt, %squeeze3A_160, %gt3A_163 : i32
      %and3A = arith.andi %eq3A_162, %gt3A_164 : i1
      %or3A = arith.ori %gt3A_161, %and3A : i1
      %jit3A = arith.constant -2.000000e+00 : f32
      %select_n3A = arith.select %or3A, %squeeze3A, %jit3A : f32
      %jit3A_165 = arith.constant 0 : i32
      %select_n3A_166 = arith.select %or3A, %squeeze3A_160, %jit3A_165 : i32
      %slice3A_167 = vector.extract_strided_slice %scan3A_157#0 {offsets = [1], sizes = [1], strides = [1]} : vector<16xf32> to vector<1xf32>
      %squeeze3A_168 = vector.extract %slice3A_167[0] : f32 from vector<1xf32>
      %slice3A_169 = vector.extract_strided_slice %scan3A_157#1 {offsets = [1], sizes = [1], strides = [1]} : vector<16xi32> to vector<1xi32>
      %squeeze3A_170 = vector.extract %slice3A_169[0] : i32 from vector<1xi32>
      %gt3A_171 = arith.cmpf ogt, %squeeze3A_168, %select_n3A : f32
      %eq3A_172 = arith.cmpf oeq, %squeeze3A_168, %select_n3A : f32
      %gt3A_173 = arith.cmpi sgt, %squeeze3A_170, %select_n3A_166 : i32
      %and3A_174 = arith.andi %eq3A_172, %gt3A_173 : i1
      %or3A_175 = arith.ori %gt3A_171, %and3A_174 : i1
      %select_n3A_176 = arith.select %or3A_175, %squeeze3A_168, %select_n3A : f32
      %select_n3A_177 = arith.select %or3A_175, %squeeze3A_170, %select_n3A_166 : i32
      %slice3A_178 = vector.extract_strided_slice %scan3A_157#0 {offsets = [2], sizes = [1], strides = [1]} : vector<16xf32> to vector<1xf32>
      %squeeze3A_179 = vector.extract %slice3A_178[0] : f32 from vector<1xf32>
      %slice3A_180 = vector.extract_strided_slice %scan3A_157#1 {offsets = [2], sizes = [1], strides = [1]} : vector<16xi32> to vector<1xi32>
      %squeeze3A_181 = vector.extract %slice3A_180[0] : i32 from vector<1xi32>
      %gt3A_182 = arith.cmpf ogt, %squeeze3A_179, %select_n3A_176 : f32
      %eq3A_183 = arith.cmpf oeq, %squeeze3A_179, %select_n3A_176 : f32
      %gt3A_184 = arith.cmpi sgt, %squeeze3A_181, %select_n3A_177 : i32
      %and3A_185 = arith.andi %eq3A_183, %gt3A_184 : i1
      %or3A_186 = arith.ori %gt3A_182, %and3A_185 : i1
      %select_n3A_187 = arith.select %or3A_186, %squeeze3A_179, %select_n3A_176 : f32
      %select_n3A_188 = arith.select %or3A_186, %squeeze3A_181, %select_n3A_177 : i32
      %slice3A_189 = vector.extract_strided_slice %scan3A_157#0 {offsets = [3], sizes = [1], strides = [1]} : vector<16xf32> to vector<1xf32>
      %squeeze3A_190 = vector.extract %slice3A_189[0] : f32 from vector<1xf32>
      %slice3A_191 = vector.extract_strided_slice %scan3A_157#1 {offsets = [3], sizes = [1], strides = [1]} : vector<16xi32> to vector<1xi32>
      %squeeze3A_192 = vector.extract %slice3A_191[0] : i32 from vector<1xi32>
      %gt3A_193 = arith.cmpf ogt, %squeeze3A_190, %select_n3A_187 : f32
      %eq3A_194 = arith.cmpf oeq, %squeeze3A_190, %select_n3A_187 : f32
      %gt3A_195 = arith.cmpi sgt, %squeeze3A_192, %select_n3A_188 : i32
      %and3A_196 = arith.andi %eq3A_194, %gt3A_195 : i1
      %or3A_197 = arith.ori %gt3A_193, %and3A_196 : i1
      %select_n3A_198 = arith.select %or3A_197, %squeeze3A_190, %select_n3A_187 : f32
      %select_n3A_199 = arith.select %or3A_197, %squeeze3A_192, %select_n3A_188 : i32
      %slice3A_200 = vector.extract_strided_slice %scan3A_157#0 {offsets = [4], sizes = [1], strides = [1]} : vector<16xf32> to vector<1xf32>
      %squeeze3A_201 = vector.extract %slice3A_200[0] : f32 from vector<1xf32>
      %slice3A_202 = vector.extract_strided_slice %scan3A_157#1 {offsets = [4], sizes = [1], strides = [1]} : vector<16xi32> to vector<1xi32>
      %squeeze3A_203 = vector.extract %slice3A_202[0] : i32 from vector<1xi32>
      %gt3A_204 = arith.cmpf ogt, %squeeze3A_201, %select_n3A_198 : f32
      %eq3A_205 = arith.cmpf oeq, %squeeze3A_201, %select_n3A_198 : f32
      %gt3A_206 = arith.cmpi sgt, %squeeze3A_203, %select_n3A_199 : i32
      %and3A_207 = arith.andi %eq3A_205, %gt3A_206 : i1
      %or3A_208 = arith.ori %gt3A_204, %and3A_207 : i1
      %select_n3A_209 = arith.select %or3A_208, %squeeze3A_201, %select_n3A_198 : f32
      %select_n3A_210 = arith.select %or3A_208, %squeeze3A_203, %select_n3A_199 : i32
      %slice3A_211 = vector.extract_strided_slice %scan3A_157#0 {offsets = [5], sizes = [1], strides = [1]} : vector<16xf32> to vector<1xf32>
      %squeeze3A_212 = vector.extract %slice3A_211[0] : f32 from vector<1xf32>
      %slice3A_213 = vector.extract_strided_slice %scan3A_157#1 {offsets = [5], sizes = [1], strides = [1]} : vector<16xi32> to vector<1xi32>
      %squeeze3A_214 = vector.extract %slice3A_213[0] : i32 from vector<1xi32>
      %gt3A_215 = arith.cmpf ogt, %squeeze3A_212, %select_n3A_209 : f32
      %eq3A_216 = arith.cmpf oeq, %squeeze3A_212, %select_n3A_209 : f32
      %gt3A_217 = arith.cmpi sgt, %squeeze3A_214, %select_n3A_210 : i32
      %and3A_218 = arith.andi %eq3A_216, %gt3A_217 : i1
      %or3A_219 = arith.ori %gt3A_215, %and3A_218 : i1
      %select_n3A_220 = arith.select %or3A_219, %squeeze3A_212, %select_n3A_209 : f32
      %select_n3A_221 = arith.select %or3A_219, %squeeze3A_214, %select_n3A_210 : i32
      %slice3A_222 = vector.extract_strided_slice %scan3A_157#0 {offsets = [6], sizes = [1], strides = [1]} : vector<16xf32> to vector<1xf32>
      %squeeze3A_223 = vector.extract %slice3A_222[0] : f32 from vector<1xf32>
      %slice3A_224 = vector.extract_strided_slice %scan3A_157#1 {offsets = [6], sizes = [1], strides = [1]} : vector<16xi32> to vector<1xi32>
      %squeeze3A_225 = vector.extract %slice3A_224[0] : i32 from vector<1xi32>
      %gt3A_226 = arith.cmpf ogt, %squeeze3A_223, %select_n3A_220 : f32
      %eq3A_227 = arith.cmpf oeq, %squeeze3A_223, %select_n3A_220 : f32
      %gt3A_228 = arith.cmpi sgt, %squeeze3A_225, %select_n3A_221 : i32
      %and3A_229 = arith.andi %eq3A_227, %gt3A_228 : i1
      %or3A_230 = arith.ori %gt3A_226, %and3A_229 : i1
      %select_n3A_231 = arith.select %or3A_230, %squeeze3A_223, %select_n3A_220 : f32
      %select_n3A_232 = arith.select %or3A_230, %squeeze3A_225, %select_n3A_221 : i32
      %slice3A_233 = vector.extract_strided_slice %scan3A_157#0 {offsets = [7], sizes = [1], strides = [1]} : vector<16xf32> to vector<1xf32>
      %squeeze3A_234 = vector.extract %slice3A_233[0] : f32 from vector<1xf32>
      %slice3A_235 = vector.extract_strided_slice %scan3A_157#1 {offsets = [7], sizes = [1], strides = [1]} : vector<16xi32> to vector<1xi32>
      %squeeze3A_236 = vector.extract %slice3A_235[0] : i32 from vector<1xi32>
      %gt3A_237 = arith.cmpf ogt, %squeeze3A_234, %select_n3A_231 : f32
      %eq3A_238 = arith.cmpf oeq, %squeeze3A_234, %select_n3A_231 : f32
      %gt3A_239 = arith.cmpi sgt, %squeeze3A_236, %select_n3A_232 : i32
      %and3A_240 = arith.andi %eq3A_238, %gt3A_239 : i1
      %or3A_241 = arith.ori %gt3A_237, %and3A_240 : i1
      %select_n3A_242 = arith.select %or3A_241, %squeeze3A_234, %select_n3A_231 : f32
      %select_n3A_243 = arith.select %or3A_241, %squeeze3A_236, %select_n3A_232 : i32
      %slice3A_244 = vector.extract_strided_slice %scan3A_157#0 {offsets = [8], sizes = [1], strides = [1]} : vector<16xf32> to vector<1xf32>
      %squeeze3A_245 = vector.extract %slice3A_244[0] : f32 from vector<1xf32>
      %slice3A_246 = vector.extract_strided_slice %scan3A_157#1 {offsets = [8], sizes = [1], strides = [1]} : vector<16xi32> to vector<1xi32>
      %squeeze3A_247 = vector.extract %slice3A_246[0] : i32 from vector<1xi32>
      %gt3A_248 = arith.cmpf ogt, %squeeze3A_245, %select_n3A_242 : f32
      %eq3A_249 = arith.cmpf oeq, %squeeze3A_245, %select_n3A_242 : f32
      %gt3A_250 = arith.cmpi sgt, %squeeze3A_247, %select_n3A_243 : i32
      %and3A_251 = arith.andi %eq3A_249, %gt3A_250 : i1
      %or3A_252 = arith.ori %gt3A_248, %and3A_251 : i1
      %select_n3A_253 = arith.select %or3A_252, %squeeze3A_245, %select_n3A_242 : f32
      %select_n3A_254 = arith.select %or3A_252, %squeeze3A_247, %select_n3A_243 : i32
      %slice3A_255 = vector.extract_strided_slice %scan3A_157#0 {offsets = [9], sizes = [1], strides = [1]} : vector<16xf32> to vector<1xf32>
      %squeeze3A_256 = vector.extract %slice3A_255[0] : f32 from vector<1xf32>
      %slice3A_257 = vector.extract_strided_slice %scan3A_157#1 {offsets = [9], sizes = [1], strides = [1]} : vector<16xi32> to vector<1xi32>
      %squeeze3A_258 = vector.extract %slice3A_257[0] : i32 from vector<1xi32>
      %gt3A_259 = arith.cmpf ogt, %squeeze3A_256, %select_n3A_253 : f32
      %eq3A_260 = arith.cmpf oeq, %squeeze3A_256, %select_n3A_253 : f32
      %gt3A_261 = arith.cmpi sgt, %squeeze3A_258, %select_n3A_254 : i32
      %and3A_262 = arith.andi %eq3A_260, %gt3A_261 : i1
      %or3A_263 = arith.ori %gt3A_259, %and3A_262 : i1
      %select_n3A_264 = arith.select %or3A_263, %squeeze3A_256, %select_n3A_253 : f32
      %select_n3A_265 = arith.select %or3A_263, %squeeze3A_258, %select_n3A_254 : i32
      %slice3A_266 = vector.extract_strided_slice %scan3A_157#0 {offsets = [10], sizes = [1], strides = [1]} : vector<16xf32> to vector<1xf32>
      %squeeze3A_267 = vector.extract %slice3A_266[0] : f32 from vector<1xf32>
      %slice3A_268 = vector.extract_strided_slice %scan3A_157#1 {offsets = [10], sizes = [1], strides = [1]} : vector<16xi32> to vector<1xi32>
      %squeeze3A_269 = vector.extract %slice3A_268[0] : i32 from vector<1xi32>
      %gt3A_270 = arith.cmpf ogt, %squeeze3A_267, %select_n3A_264 : f32
      %eq3A_271 = arith.cmpf oeq, %squeeze3A_267, %select_n3A_264 : f32
      %gt3A_272 = arith.cmpi sgt, %squeeze3A_269, %select_n3A_265 : i32
      %and3A_273 = arith.andi %eq3A_271, %gt3A_272 : i1
      %or3A_274 = arith.ori %gt3A_270, %and3A_273 : i1
      %select_n3A_275 = arith.select %or3A_274, %squeeze3A_267, %select_n3A_264 : f32
      %select_n3A_276 = arith.select %or3A_274, %squeeze3A_269, %select_n3A_265 : i32
      %slice3A_277 = vector.extract_strided_slice %scan3A_157#0 {offsets = [11], sizes = [1], strides = [1]} : vector<16xf32> to vector<1xf32>
      %squeeze3A_278 = vector.extract %slice3A_277[0] : f32 from vector<1xf32>
      %slice3A_279 = vector.extract_strided_slice %scan3A_157#1 {offsets = [11], sizes = [1], strides = [1]} : vector<16xi32> to vector<1xi32>
      %squeeze3A_280 = vector.extract %slice3A_279[0] : i32 from vector<1xi32>
      %gt3A_281 = arith.cmpf ogt, %squeeze3A_278, %select_n3A_275 : f32
      %eq3A_282 = arith.cmpf oeq, %squeeze3A_278, %select_n3A_275 : f32
      %gt3A_283 = arith.cmpi sgt, %squeeze3A_280, %select_n3A_276 : i32
      %and3A_284 = arith.andi %eq3A_282, %gt3A_283 : i1
      %or3A_285 = arith.ori %gt3A_281, %and3A_284 : i1
      %select_n3A_286 = arith.select %or3A_285, %squeeze3A_278, %select_n3A_275 : f32
      %select_n3A_287 = arith.select %or3A_285, %squeeze3A_280, %select_n3A_276 : i32
      %slice3A_288 = vector.extract_strided_slice %scan3A_157#0 {offsets = [12], sizes = [1], strides = [1]} : vector<16xf32> to vector<1xf32>
      %squeeze3A_289 = vector.extract %slice3A_288[0] : f32 from vector<1xf32>
      %slice3A_290 = vector.extract_strided_slice %scan3A_157#1 {offsets = [12], sizes = [1], strides = [1]} : vector<16xi32> to vector<1xi32>
      %squeeze3A_291 = vector.extract %slice3A_290[0] : i32 from vector<1xi32>
      %gt3A_292 = arith.cmpf ogt, %squeeze3A_289, %select_n3A_286 : f32
      %eq3A_293 = arith.cmpf oeq, %squeeze3A_289, %select_n3A_286 : f32
      %gt3A_294 = arith.cmpi sgt, %squeeze3A_291, %select_n3A_287 : i32
      %and3A_295 = arith.andi %eq3A_293, %gt3A_294 : i1
      %or3A_296 = arith.ori %gt3A_292, %and3A_295 : i1
      %select_n3A_297 = arith.select %or3A_296, %squeeze3A_289, %select_n3A_286 : f32
      %select_n3A_298 = arith.select %or3A_296, %squeeze3A_291, %select_n3A_287 : i32
      %slice3A_299 = vector.extract_strided_slice %scan3A_157#0 {offsets = [13], sizes = [1], strides = [1]} : vector<16xf32> to vector<1xf32>
      %squeeze3A_300 = vector.extract %slice3A_299[0] : f32 from vector<1xf32>
      %slice3A_301 = vector.extract_strided_slice %scan3A_157#1 {offsets = [13], sizes = [1], strides = [1]} : vector<16xi32> to vector<1xi32>
      %squeeze3A_302 = vector.extract %slice3A_301[0] : i32 from vector<1xi32>
      %gt3A_303 = arith.cmpf ogt, %squeeze3A_300, %select_n3A_297 : f32
      %eq3A_304 = arith.cmpf oeq, %squeeze3A_300, %select_n3A_297 : f32
      %gt3A_305 = arith.cmpi sgt, %squeeze3A_302, %select_n3A_298 : i32
      %and3A_306 = arith.andi %eq3A_304, %gt3A_305 : i1
      %or3A_307 = arith.ori %gt3A_303, %and3A_306 : i1
      %select_n3A_308 = arith.select %or3A_307, %squeeze3A_300, %select_n3A_297 : f32
      %select_n3A_309 = arith.select %or3A_307, %squeeze3A_302, %select_n3A_298 : i32
      %slice3A_310 = vector.extract_strided_slice %scan3A_157#0 {offsets = [14], sizes = [1], strides = [1]} : vector<16xf32> to vector<1xf32>
      %squeeze3A_311 = vector.extract %slice3A_310[0] : f32 from vector<1xf32>
      %slice3A_312 = vector.extract_strided_slice %scan3A_157#1 {offsets = [14], sizes = [1], strides = [1]} : vector<16xi32> to vector<1xi32>
      %squeeze3A_313 = vector.extract %slice3A_312[0] : i32 from vector<1xi32>
      %gt3A_314 = arith.cmpf ogt, %squeeze3A_311, %select_n3A_308 : f32
      %eq3A_315 = arith.cmpf oeq, %squeeze3A_311, %select_n3A_308 : f32
      %gt3A_316 = arith.cmpi sgt, %squeeze3A_313, %select_n3A_309 : i32
      %and3A_317 = arith.andi %eq3A_315, %gt3A_316 : i1
      %or3A_318 = arith.ori %gt3A_314, %and3A_317 : i1
      %select_n3A_319 = arith.select %or3A_318, %squeeze3A_311, %select_n3A_308 : f32
      %select_n3A_320 = arith.select %or3A_318, %squeeze3A_313, %select_n3A_309 : i32
      %slice3A_321 = vector.extract_strided_slice %scan3A_157#0 {offsets = [15], sizes = [1], strides = [1]} : vector<16xf32> to vector<1xf32>
      %squeeze3A_322 = vector.extract %slice3A_321[0] : f32 from vector<1xf32>
      %slice3A_323 = vector.extract_strided_slice %scan3A_157#1 {offsets = [15], sizes = [1], strides = [1]} : vector<16xi32> to vector<1xi32>
      %squeeze3A_324 = vector.extract %slice3A_323[0] : i32 from vector<1xi32>
      %gt3A_325 = arith.cmpf ogt, %squeeze3A_322, %select_n3A_319 : f32
      %eq3A_326 = arith.cmpf oeq, %squeeze3A_322, %select_n3A_319 : f32
      %gt3A_327 = arith.cmpi sgt, %squeeze3A_324, %select_n3A_320 : i32
      %and3A_328 = arith.andi %eq3A_326, %gt3A_327 : i1
      %or3A_329 = arith.ori %gt3A_325, %and3A_328 : i1
      %select_n3A_330 = arith.select %or3A_329, %squeeze3A_322, %select_n3A_319 : f32
      %select_n3A_331 = arith.select %or3A_329, %squeeze3A_324, %select_n3A_320 : i32
      %broadcast_in_dim3A_332 = arith.constant 0 : i32
      %broadcast_in_dim3A_333 = vector.broadcast %broadcast_in_dim3A_332 : i32 to vector<16xi32>
      %add3A_334 = vector.broadcast %select_n3A_331 : i32 to vector<16xi32>
      %add3A_335 = arith.addi %broadcast_in_dim3A_333, %add3A_334 : vector<16xi32>
      %gather3A = tpu.vector_load_idx %arg14[%add3A_335] : memref<1280xf32, #tpu.memory_space<vmem>>[vector<16xi32>], vector<16xf32>,
      %gather3A_336 = tpu.vector_load_idx %arg15[%add3A_335] : memref<1280xf32, #tpu.memory_space<vmem>>[vector<16xi32>], vector<16xf32>,
      %gather3A_337 = tpu.vector_load_idx %arg16[%add3A_335] : memref<1280xf32, #tpu.memory_space<vmem>>[vector<16xi32>], vector<16xf32>,
      %gather3A_338 = tpu.vector_load_idx %arg17[%add3A_335] : memref<1280xf32, #tpu.memory_space<vmem>>[vector<16xi32>], vector<16xf32>,
      %gather3A_339 = tpu.vector_load_idx %arg18[%add3A_335] : memref<1280xf32, #tpu.memory_space<vmem>>[vector<16xi32>], vector<16xf32>,
      %eq3A_340 = arith.constant 0 : i32
      %eq3A_341 = vector.broadcast %eq3A_340 : i32 to vector<16xi32>
      %eq3A_342 = arith.cmpi eq, %iota3A, %eq3A_341 : vector<16xi32>
      %eq3A_343 = arith.constant 1 : i32
      %eq3A_344 = vector.broadcast %eq3A_343 : i32 to vector<16xi32>
      %eq3A_345 = arith.cmpi eq, %iota3A, %eq3A_344 : vector<16xi32>
      %eq3A_346 = arith.constant 2 : i32
      %eq3A_347 = vector.broadcast %eq3A_346 : i32 to vector<16xi32>
      %eq3A_348 = arith.cmpi eq, %iota3A, %eq3A_347 : vector<16xi32>
      %eq3A_349 = arith.constant 3 : i32
      %eq3A_350 = vector.broadcast %eq3A_349 : i32 to vector<16xi32>
      %eq3A_351 = arith.cmpi eq, %iota3A, %eq3A_350 : vector<16xi32>
      %eq3A_352 = arith.constant 4 : i32
      %eq3A_353 = vector.broadcast %eq3A_352 : i32 to vector<16xi32>
      %eq3A_354 = arith.cmpi eq, %iota3A, %eq3A_353 : vector<16xi32>
      %eq3A_355 = arith.constant 5 : i32
      %eq3A_356 = vector.broadcast %eq3A_355 : i32 to vector<16xi32>
      %eq3A_357 = arith.cmpi eq, %iota3A, %eq3A_356 : vector<16xi32>
      %jit3A_358 = arith.constant 0.000000e+00 : f32
      %broadcast_in_dim3A_359 = vector.broadcast %jit3A_358 : f32 to vector<16xf32>
      %select_n3A_360 = arith.select %eq3A_357, %gather3A_339, %broadcast_in_dim3A_359 : vector<16xi1>, vector<16xf32>
      %select_n3A_361 = arith.select %eq3A_354, %gather3A_338, %select_n3A_360 : vector<16xi1>, vector<16xf32>
      %select_n3A_362 = arith.select %eq3A_351, %gather3A_337, %select_n3A_361 : vector<16xi1>, vector<16xf32>
      %select_n3A_363 = arith.select %eq3A_348, %gather3A_336, %select_n3A_362 : vector<16xi1>, vector<16xf32>
      %select_n3A_364 = arith.select %eq3A_345, %gather3A, %select_n3A_363 : vector<16xi1>, vector<16xf32>
      %broadcast_in_dim3A_365 = vector.broadcast %select_n3A_330 : f32 to vector<16xf32>
      %select_n3A_366 = arith.select %eq3A_342, %broadcast_in_dim3A_365, %select_n3A_364 : vector<16xi1>, vector<16xf32>
      %swap3A_367 = arith.constant 0 : index
      %swap3A_368 = tpu.vector_load %arg22[%swap3A_367] {strides = array<i32>} : memref<16xf32, #tpu.memory_space<vmem>>, vector<16xf32>,
      tpu.vector_store %arg22[%swap3A_367], %select_n3A_366 {strides = array<i32>} : memref<16xf32, #tpu.memory_space<vmem>>, vector<16xf32>,
      %and3A_369 = arith.constant 1 : i32
      %and3A_370 = arith.andi %while3A_147, %and3A_369 : i32
      %mul3A_371 = arith.constant 16 : i32
      %mul3A_372 = arith.muli %and3A_370, %mul3A_371 : i32
      %add3A_373 = arith.constant 32 : i32
      %add3A_374 = arith.addi %add3A_373, %mul3A_372 : i32
      %add3A_375 = arith.addi %add3A_374, %arg1 : i32
      "tpu.region"() ({
        %run_scoped3A_574 = tpu.sem_alloc : memref<!tpu.dma_semaphore, #tpu.memory_space<semaphore_mem>>
        %dma_start3A = arith.constant 0 : i32
        %dma_start3A_575 = tpu.memref_slice %arg24[%add3A_375, %dma_start3A] : memref<64x16xf32, #tpu.memory_space<vmem_shared>> -> memref<1x16xf32, #tpu.memory_space<vmem_shared>>
        %dma_start3A_576 = tpu.memref_squeeze %dma_start3A_575 : memref<1x16xf32, #tpu.memory_space<vmem_shared>> -> memref<16xf32, #tpu.memory_space<vmem_shared>>
        %dma_start3A_577 = arith.constant 0 : i32
        %dma_start3A_578 = tpu.memref_slice %arg24[%add3A_375, %dma_start3A_577] : memref<64x16xf32, #tpu.memory_space<vmem_shared>> -> memref<1x16xf32, #tpu.memory_space<vmem_shared>>
        %dma_start3A_579 = tpu.memref_squeeze %dma_start3A_578 : memref<1x16xf32, #tpu.memory_space<vmem_shared>> -> memref<16xf32, #tpu.memory_space<vmem_shared>>
        tpu.enqueue_dma source(%arg22 : memref<16xf32, #tpu.memory_space<vmem>>) target(%dma_start3A_579 : memref<16xf32, #tpu.memory_space<vmem_shared>>) target_semaphore(%run_scoped3A_574 : memref<!tpu.dma_semaphore, #tpu.memory_space<semaphore_mem>>)
        %dma_wait3A = arith.constant 0 : i32
        %dma_wait3A_580 = tpu.memref_slice %arg24[%add3A_375, %dma_wait3A] : memref<64x16xf32, #tpu.memory_space<vmem_shared>> -> memref<1x16xf32, #tpu.memory_space<vmem_shared>>
        %dma_wait3A_581 = tpu.memref_squeeze %dma_wait3A_580 : memref<1x16xf32, #tpu.memory_space<vmem_shared>> -> memref<16xf32, #tpu.memory_space<vmem_shared>>
        %dma_wait3A_582 = arith.constant 0 : i32
        %dma_wait3A_583 = tpu.memref_slice %arg24[%add3A_375, %dma_wait3A_582] : memref<64x16xf32, #tpu.memory_space<vmem_shared>> -> memref<1x16xf32, #tpu.memory_space<vmem_shared>>
        %dma_wait3A_584 = tpu.memref_squeeze %dma_wait3A_583 : memref<1x16xf32, #tpu.memory_space<vmem_shared>> -> memref<16xf32, #tpu.memory_space<vmem_shared>>
        tpu.wait_dma2 semaphore(%run_scoped3A_574 : memref<!tpu.dma_semaphore, #tpu.memory_space<semaphore_mem>>) src(%arg22 : memref<16xf32, #tpu.memory_space<vmem>>) dst(%dma_wait3A_584 : memref<16xf32, #tpu.memory_space<vmem_shared>>)
        tpu.yield
      }) : () -> ()
      %barrier3A_376 = arith.constant 0 : index
      tpu.barrier barrier_id(%barrier3A_376)
      %and3A_377 = arith.constant 1 : i32
      %and3A_378 = arith.andi %while3A_147, %and3A_377 : i32
      %mul3A_379 = arith.constant 16 : i32
      %mul3A_380 = arith.muli %and3A_378, %mul3A_379 : i32
      %add3A_381 = arith.constant 32 : i32
      %add3A_382 = arith.addi %add3A_381, %mul3A_380 : i32
      "tpu.region"() ({
        %run_scoped3A_574 = tpu.sem_alloc : memref<!tpu.dma_semaphore, #tpu.memory_space<semaphore_mem>>
        %dma_start3A = arith.constant 0 : i32
        %dma_start3A_575 = tpu.memref_slice %arg24[%add3A_382, %dma_start3A] : memref<64x16xf32, #tpu.memory_space<vmem_shared>> -> memref<16x16xf32, #tpu.memory_space<vmem_shared>>
        %dma_start3A_576 = arith.constant 0 : i32
        %dma_start3A_577 = tpu.memref_slice %arg24[%add3A_382, %dma_start3A_576] : memref<64x16xf32, #tpu.memory_space<vmem_shared>> -> memref<16x16xf32, #tpu.memory_space<vmem_shared>>
        tpu.enqueue_dma source(%dma_start3A_577 : memref<16x16xf32, #tpu.memory_space<vmem_shared>>) target(%arg20 : memref<16x16xf32, #tpu.memory_space<vmem>>) target_semaphore(%run_scoped3A_574 : memref<!tpu.dma_semaphore, #tpu.memory_space<semaphore_mem>>)
        %dma_wait3A = arith.constant 0 : i32
        %dma_wait3A_578 = tpu.memref_slice %arg24[%add3A_382, %dma_wait3A] : memref<64x16xf32, #tpu.memory_space<vmem_shared>> -> memref<16x16xf32, #tpu.memory_space<vmem_shared>>
        %dma_wait3A_579 = arith.constant 0 : i32
        %dma_wait3A_580 = tpu.memref_slice %arg24[%add3A_382, %dma_wait3A_579] : memref<64x16xf32, #tpu.memory_space<vmem_shared>> -> memref<16x16xf32, #tpu.memory_space<vmem_shared>>
        tpu.wait_dma2 semaphore(%run_scoped3A_574 : memref<!tpu.dma_semaphore, #tpu.memory_space<semaphore_mem>>) src(%dma_wait3A_580 : memref<16x16xf32, #tpu.memory_space<vmem_shared>>) dst(%arg20 : memref<16x16xf32, #tpu.memory_space<vmem>>)
        tpu.yield
      }) : () -> ()
      %get3A_383 = arith.constant 0 : i32
      %get3A_384 = arith.index_cast %get3A_383 : i32 to index
      %get3A_385 = arith.constant 0 : index
      %get3A_386 = tpu.vector_load %arg20[%get3A_384, %get3A_385] {strides = array<i32>} : memref<16x16xf32, #tpu.memory_space<vmem>>, vector<16xf32>,
      %slice3A_387 = vector.extract_strided_slice %get3A_386 {offsets = [0], sizes = [1], strides = [1]} : vector<16xf32> to vector<1xf32>
      %squeeze3A_388 = vector.extract %slice3A_387[0] : f32 from vector<1xf32>
      %ge3A = arith.constant -2.000000e+00 : f32
      %ge3A_389 = arith.cmpf oge, %squeeze3A_388, %ge3A : f32
      %jit3A_390 = arith.constant -2.000000e+00 : f32
      %select_n3A_391 = arith.select %ge3A_389, %squeeze3A_388, %jit3A_390 : f32
      %jit3A_392 = arith.constant 0 : i32
      %jit3A_393 = arith.constant 0 : i32
      %select_n3A_394 = arith.select %ge3A_389, %jit3A_392, %jit3A_393 : i32
      %get3A_395 = arith.constant 1 : i32
      %get3A_396 = arith.index_cast %get3A_395 : i32 to index
      %get3A_397 = arith.constant 0 : index
      %get3A_398 = tpu.vector_load %arg20[%get3A_396, %get3A_397] {strides = array<i32>} : memref<16x16xf32, #tpu.memory_space<vmem>>, vector<16xf32>,
      %slice3A_399 = vector.extract_strided_slice %get3A_398 {offsets = [0], sizes = [1], strides = [1]} : vector<16xf32> to vector<1xf32>
      %squeeze3A_400 = vector.extract %slice3A_399[0] : f32 from vector<1xf32>
      %ge3A_401 = arith.cmpf oge, %squeeze3A_400, %select_n3A_391 : f32
      %select_n3A_402 = arith.select %ge3A_401, %squeeze3A_400, %select_n3A_391 : f32
      %jit3A_403 = arith.constant 1 : i32
      %select_n3A_404 = arith.select %ge3A_401, %jit3A_403, %select_n3A_394 : i32
      %get3A_405 = arith.constant 2 : i32
      %get3A_406 = arith.index_cast %get3A_405 : i32 to index
      %get3A_407 = arith.constant 0 : index
      %get3A_408 = tpu.vector_load %arg20[%get3A_406, %get3A_407] {strides = array<i32>} : memref<16x16xf32, #tpu.memory_space<vmem>>, vector<16xf32>,
      %slice3A_409 = vector.extract_strided_slice %get3A_408 {offsets = [0], sizes = [1], strides = [1]} : vector<16xf32> to vector<1xf32>
      %squeeze3A_410 = vector.extract %slice3A_409[0] : f32 from vector<1xf32>
      %ge3A_411 = arith.cmpf oge, %squeeze3A_410, %select_n3A_402 : f32
      %select_n3A_412 = arith.select %ge3A_411, %squeeze3A_410, %select_n3A_402 : f32
      %jit3A_413 = arith.constant 2 : i32
      %select_n3A_414 = arith.select %ge3A_411, %jit3A_413, %select_n3A_404 : i32
      %get3A_415 = arith.constant 3 : i32
      %get3A_416 = arith.index_cast %get3A_415 : i32 to index
      %get3A_417 = arith.constant 0 : index
      %get3A_418 = tpu.vector_load %arg20[%get3A_416, %get3A_417] {strides = array<i32>} : memref<16x16xf32, #tpu.memory_space<vmem>>, vector<16xf32>,
      %slice3A_419 = vector.extract_strided_slice %get3A_418 {offsets = [0], sizes = [1], strides = [1]} : vector<16xf32> to vector<1xf32>
      %squeeze3A_420 = vector.extract %slice3A_419[0] : f32 from vector<1xf32>
      %ge3A_421 = arith.cmpf oge, %squeeze3A_420, %select_n3A_412 : f32
      %select_n3A_422 = arith.select %ge3A_421, %squeeze3A_420, %select_n3A_412 : f32
      %jit3A_423 = arith.constant 3 : i32
      %select_n3A_424 = arith.select %ge3A_421, %jit3A_423, %select_n3A_414 : i32
      %get3A_425 = arith.constant 4 : i32
      %get3A_426 = arith.index_cast %get3A_425 : i32 to index
      %get3A_427 = arith.constant 0 : index
      %get3A_428 = tpu.vector_load %arg20[%get3A_426, %get3A_427] {strides = array<i32>} : memref<16x16xf32, #tpu.memory_space<vmem>>, vector<16xf32>,
      %slice3A_429 = vector.extract_strided_slice %get3A_428 {offsets = [0], sizes = [1], strides = [1]} : vector<16xf32> to vector<1xf32>
      %squeeze3A_430 = vector.extract %slice3A_429[0] : f32 from vector<1xf32>
      %ge3A_431 = arith.cmpf oge, %squeeze3A_430, %select_n3A_422 : f32
      %select_n3A_432 = arith.select %ge3A_431, %squeeze3A_430, %select_n3A_422 : f32
      %jit3A_433 = arith.constant 4 : i32
      %select_n3A_434 = arith.select %ge3A_431, %jit3A_433, %select_n3A_424 : i32
      %get3A_435 = arith.constant 5 : i32
      %get3A_436 = arith.index_cast %get3A_435 : i32 to index
      %get3A_437 = arith.constant 0 : index
      %get3A_438 = tpu.vector_load %arg20[%get3A_436, %get3A_437] {strides = array<i32>} : memref<16x16xf32, #tpu.memory_space<vmem>>, vector<16xf32>,
      %slice3A_439 = vector.extract_strided_slice %get3A_438 {offsets = [0], sizes = [1], strides = [1]} : vector<16xf32> to vector<1xf32>
      %squeeze3A_440 = vector.extract %slice3A_439[0] : f32 from vector<1xf32>
      %ge3A_441 = arith.cmpf oge, %squeeze3A_440, %select_n3A_432 : f32
      %select_n3A_442 = arith.select %ge3A_441, %squeeze3A_440, %select_n3A_432 : f32
      %jit3A_443 = arith.constant 5 : i32
      %select_n3A_444 = arith.select %ge3A_441, %jit3A_443, %select_n3A_434 : i32
      %get3A_445 = arith.constant 6 : i32
      %get3A_446 = arith.index_cast %get3A_445 : i32 to index
      %get3A_447 = arith.constant 0 : index
      %get3A_448 = tpu.vector_load %arg20[%get3A_446, %get3A_447] {strides = array<i32>} : memref<16x16xf32, #tpu.memory_space<vmem>>, vector<16xf32>,
      %slice3A_449 = vector.extract_strided_slice %get3A_448 {offsets = [0], sizes = [1], strides = [1]} : vector<16xf32> to vector<1xf32>
      %squeeze3A_450 = vector.extract %slice3A_449[0] : f32 from vector<1xf32>
      %ge3A_451 = arith.cmpf oge, %squeeze3A_450, %select_n3A_442 : f32
      %select_n3A_452 = arith.select %ge3A_451, %squeeze3A_450, %select_n3A_442 : f32
      %jit3A_453 = arith.constant 6 : i32
      %select_n3A_454 = arith.select %ge3A_451, %jit3A_453, %select_n3A_444 : i32
      %get3A_455 = arith.constant 7 : i32
      %get3A_456 = arith.index_cast %get3A_455 : i32 to index
      %get3A_457 = arith.constant 0 : index
      %get3A_458 = tpu.vector_load %arg20[%get3A_456, %get3A_457] {strides = array<i32>} : memref<16x16xf32, #tpu.memory_space<vmem>>, vector<16xf32>,
      %slice3A_459 = vector.extract_strided_slice %get3A_458 {offsets = [0], sizes = [1], strides = [1]} : vector<16xf32> to vector<1xf32>
      %squeeze3A_460 = vector.extract %slice3A_459[0] : f32 from vector<1xf32>
      %ge3A_461 = arith.cmpf oge, %squeeze3A_460, %select_n3A_452 : f32
      %select_n3A_462 = arith.select %ge3A_461, %squeeze3A_460, %select_n3A_452 : f32
      %jit3A_463 = arith.constant 7 : i32
      %select_n3A_464 = arith.select %ge3A_461, %jit3A_463, %select_n3A_454 : i32
      %get3A_465 = arith.constant 8 : i32
      %get3A_466 = arith.index_cast %get3A_465 : i32 to index
      %get3A_467 = arith.constant 0 : index
      %get3A_468 = tpu.vector_load %arg20[%get3A_466, %get3A_467] {strides = array<i32>} : memref<16x16xf32, #tpu.memory_space<vmem>>, vector<16xf32>,
      %slice3A_469 = vector.extract_strided_slice %get3A_468 {offsets = [0], sizes = [1], strides = [1]} : vector<16xf32> to vector<1xf32>
      %squeeze3A_470 = vector.extract %slice3A_469[0] : f32 from vector<1xf32>
      %ge3A_471 = arith.cmpf oge, %squeeze3A_470, %select_n3A_462 : f32
      %select_n3A_472 = arith.select %ge3A_471, %squeeze3A_470, %select_n3A_462 : f32
      %jit3A_473 = arith.constant 8 : i32
      %select_n3A_474 = arith.select %ge3A_471, %jit3A_473, %select_n3A_464 : i32
      %get3A_475 = arith.constant 9 : i32
      %get3A_476 = arith.index_cast %get3A_475 : i32 to index
      %get3A_477 = arith.constant 0 : index
      %get3A_478 = tpu.vector_load %arg20[%get3A_476, %get3A_477] {strides = array<i32>} : memref<16x16xf32, #tpu.memory_space<vmem>>, vector<16xf32>,
      %slice3A_479 = vector.extract_strided_slice %get3A_478 {offsets = [0], sizes = [1], strides = [1]} : vector<16xf32> to vector<1xf32>
      %squeeze3A_480 = vector.extract %slice3A_479[0] : f32 from vector<1xf32>
      %ge3A_481 = arith.cmpf oge, %squeeze3A_480, %select_n3A_472 : f32
      %select_n3A_482 = arith.select %ge3A_481, %squeeze3A_480, %select_n3A_472 : f32
      %jit3A_483 = arith.constant 9 : i32
      %select_n3A_484 = arith.select %ge3A_481, %jit3A_483, %select_n3A_474 : i32
      %get3A_485 = arith.constant 10 : i32
      %get3A_486 = arith.index_cast %get3A_485 : i32 to index
      %get3A_487 = arith.constant 0 : index
      %get3A_488 = tpu.vector_load %arg20[%get3A_486, %get3A_487] {strides = array<i32>} : memref<16x16xf32, #tpu.memory_space<vmem>>, vector<16xf32>,
      %slice3A_489 = vector.extract_strided_slice %get3A_488 {offsets = [0], sizes = [1], strides = [1]} : vector<16xf32> to vector<1xf32>
      %squeeze3A_490 = vector.extract %slice3A_489[0] : f32 from vector<1xf32>
      %ge3A_491 = arith.cmpf oge, %squeeze3A_490, %select_n3A_482 : f32
      %select_n3A_492 = arith.select %ge3A_491, %squeeze3A_490, %select_n3A_482 : f32
      %jit3A_493 = arith.constant 10 : i32
      %select_n3A_494 = arith.select %ge3A_491, %jit3A_493, %select_n3A_484 : i32
      %get3A_495 = arith.constant 11 : i32
      %get3A_496 = arith.index_cast %get3A_495 : i32 to index
      %get3A_497 = arith.constant 0 : index
      %get3A_498 = tpu.vector_load %arg20[%get3A_496, %get3A_497] {strides = array<i32>} : memref<16x16xf32, #tpu.memory_space<vmem>>, vector<16xf32>,
      %slice3A_499 = vector.extract_strided_slice %get3A_498 {offsets = [0], sizes = [1], strides = [1]} : vector<16xf32> to vector<1xf32>
      %squeeze3A_500 = vector.extract %slice3A_499[0] : f32 from vector<1xf32>
      %ge3A_501 = arith.cmpf oge, %squeeze3A_500, %select_n3A_492 : f32
      %select_n3A_502 = arith.select %ge3A_501, %squeeze3A_500, %select_n3A_492 : f32
      %jit3A_503 = arith.constant 11 : i32
      %select_n3A_504 = arith.select %ge3A_501, %jit3A_503, %select_n3A_494 : i32
      %get3A_505 = arith.constant 12 : i32
      %get3A_506 = arith.index_cast %get3A_505 : i32 to index
      %get3A_507 = arith.constant 0 : index
      %get3A_508 = tpu.vector_load %arg20[%get3A_506, %get3A_507] {strides = array<i32>} : memref<16x16xf32, #tpu.memory_space<vmem>>, vector<16xf32>,
      %slice3A_509 = vector.extract_strided_slice %get3A_508 {offsets = [0], sizes = [1], strides = [1]} : vector<16xf32> to vector<1xf32>
      %squeeze3A_510 = vector.extract %slice3A_509[0] : f32 from vector<1xf32>
      %ge3A_511 = arith.cmpf oge, %squeeze3A_510, %select_n3A_502 : f32
      %select_n3A_512 = arith.select %ge3A_511, %squeeze3A_510, %select_n3A_502 : f32
      %jit3A_513 = arith.constant 12 : i32
      %select_n3A_514 = arith.select %ge3A_511, %jit3A_513, %select_n3A_504 : i32
      %get3A_515 = arith.constant 13 : i32
      %get3A_516 = arith.index_cast %get3A_515 : i32 to index
      %get3A_517 = arith.constant 0 : index
      %get3A_518 = tpu.vector_load %arg20[%get3A_516, %get3A_517] {strides = array<i32>} : memref<16x16xf32, #tpu.memory_space<vmem>>, vector<16xf32>,
      %slice3A_519 = vector.extract_strided_slice %get3A_518 {offsets = [0], sizes = [1], strides = [1]} : vector<16xf32> to vector<1xf32>
      %squeeze3A_520 = vector.extract %slice3A_519[0] : f32 from vector<1xf32>
      %ge3A_521 = arith.cmpf oge, %squeeze3A_520, %select_n3A_512 : f32
      %select_n3A_522 = arith.select %ge3A_521, %squeeze3A_520, %select_n3A_512 : f32
      %jit3A_523 = arith.constant 13 : i32
      %select_n3A_524 = arith.select %ge3A_521, %jit3A_523, %select_n3A_514 : i32
      %get3A_525 = arith.constant 14 : i32
      %get3A_526 = arith.index_cast %get3A_525 : i32 to index
      %get3A_527 = arith.constant 0 : index
      %get3A_528 = tpu.vector_load %arg20[%get3A_526, %get3A_527] {strides = array<i32>} : memref<16x16xf32, #tpu.memory_space<vmem>>, vector<16xf32>,
      %slice3A_529 = vector.extract_strided_slice %get3A_528 {offsets = [0], sizes = [1], strides = [1]} : vector<16xf32> to vector<1xf32>
      %squeeze3A_530 = vector.extract %slice3A_529[0] : f32 from vector<1xf32>
      %ge3A_531 = arith.cmpf oge, %squeeze3A_530, %select_n3A_522 : f32
      %select_n3A_532 = arith.select %ge3A_531, %squeeze3A_530, %select_n3A_522 : f32
      %jit3A_533 = arith.constant 14 : i32
      %select_n3A_534 = arith.select %ge3A_531, %jit3A_533, %select_n3A_524 : i32
      %get3A_535 = arith.constant 15 : i32
      %get3A_536 = arith.index_cast %get3A_535 : i32 to index
      %get3A_537 = arith.constant 0 : index
      %get3A_538 = tpu.vector_load %arg20[%get3A_536, %get3A_537] {strides = array<i32>} : memref<16x16xf32, #tpu.memory_space<vmem>>, vector<16xf32>,
      %slice3A_539 = vector.extract_strided_slice %get3A_538 {offsets = [0], sizes = [1], strides = [1]} : vector<16xf32> to vector<1xf32>
      %squeeze3A_540 = vector.extract %slice3A_539[0] : f32 from vector<1xf32>
      %ge3A_541 = arith.cmpf oge, %squeeze3A_540, %select_n3A_532 : f32
      %select_n3A_542 = arith.select %ge3A_541, %squeeze3A_540, %select_n3A_532 : f32
      %jit3A_543 = arith.constant 15 : i32
      %select_n3A_544 = arith.select %ge3A_541, %jit3A_543, %select_n3A_534 : i32
      %gt3A_545 = arith.constant 0.000000e+00 : f32
      %gt3A_546 = arith.cmpf ogt, %select_n3A_542, %gt3A_545 : f32
      %broadcast_in_dim3A_547 = arith.constant 0 : i32
      %broadcast_in_dim3A_548 = vector.broadcast %broadcast_in_dim3A_547 : i32 to vector<16xi32>
      %add3A_549 = vector.broadcast %select_n3A_544 : i32 to vector<16xi32>
      %add3A_550 = arith.addi %broadcast_in_dim3A_548, %add3A_549 : vector<16xi32>
      %gather3A_551 = tpu.vector_load_idx %arg20[%add3A_550, %iota3A] : memref<16x16xf32, #tpu.memory_space<vmem>>[vector<16xi32>, vector<16xi32>], vector<16xf32>,
      %slice3A_552 = vector.extract_strided_slice %gather3A_551 {offsets = [1], sizes = [1], strides = [1]} : vector<16xf32> to vector<1xf32>
      %squeeze3A_553 = vector.extract %slice3A_552[0] : f32 from vector<1xf32>
      %slice3A_554 = vector.extract_strided_slice %gather3A_551 {offsets = [2], sizes = [1], strides = [1]} : vector<16xf32> to vector<1xf32>
      %squeeze3A_555 = vector.extract %slice3A_554[0] : f32 from vector<1xf32>
      %slice3A_556 = vector.extract_strided_slice %gather3A_551 {offsets = [3], sizes = [1], strides = [1]} : vector<16xf32> to vector<1xf32>
      %squeeze3A_557 = vector.extract %slice3A_556[0] : f32 from vector<1xf32>
      %slice3A_558 = vector.extract_strided_slice %gather3A_551 {offsets = [4], sizes = [1], strides = [1]} : vector<16xf32> to vector<1xf32>
      %squeeze3A_559 = vector.extract %slice3A_558[0] : f32 from vector<1xf32>
      %slice3A_560 = vector.extract_strided_slice %gather3A_551 {offsets = [5], sizes = [1], strides = [1]} : vector<16xf32> to vector<1xf32>
      %squeeze3A_561 = vector.extract %slice3A_560[0] : f32 from vector<1xf32>
      %convert_element_type3A_562 = arith.extui %gt3A_546 : i1 to i32
      %cond3A = arith.constant 0 : i32
      %cond3A_563 = arith.cmpi ne, %convert_element_type3A_562, %cond3A : i32
      scf.if %cond3A_563 {
        %eq3A_574 = arith.constant 0 : i32
        %eq3A_575 = vector.broadcast %eq3A_574 : i32 to vector<16xi32>
        %eq3A_576 = arith.cmpi eq, %iota3A, %eq3A_575 : vector<16xi32>
        %eq3A_577 = arith.constant 1 : i32
        %eq3A_578 = vector.broadcast %eq3A_577 : i32 to vector<16xi32>
        %eq3A_579 = arith.cmpi eq, %iota3A, %eq3A_578 : vector<16xi32>
        %eq3A_580 = arith.constant 2 : i32
        %eq3A_581 = vector.broadcast %eq3A_580 : i32 to vector<16xi32>
        %eq3A_582 = arith.cmpi eq, %iota3A, %eq3A_581 : vector<16xi32>
        %eq3A_583 = arith.constant 3 : i32
        %eq3A_584 = vector.broadcast %eq3A_583 : i32 to vector<16xi32>
        %eq3A_585 = arith.cmpi eq, %iota3A, %eq3A_584 : vector<16xi32>
        %eq3A_586 = arith.constant 4 : i32
        %eq3A_587 = vector.broadcast %eq3A_586 : i32 to vector<16xi32>
        %eq3A_588 = arith.cmpi eq, %iota3A, %eq3A_587 : vector<16xi32>
        %jit3A_589 = arith.constant 0.000000e+00 : f32
        %broadcast_in_dim3A_590 = vector.broadcast %squeeze3A_559 : f32 to vector<16xf32>
        %broadcast_in_dim3A_591 = vector.broadcast %jit3A_589 : f32 to vector<16xf32>
        %select_n3A_592 = arith.select %eq3A_588, %broadcast_in_dim3A_590, %broadcast_in_dim3A_591 : vector<16xi1>, vector<16xf32>
        %broadcast_in_dim3A_593 = vector.broadcast %squeeze3A_557 : f32 to vector<16xf32>
        %select_n3A_594 = arith.select %eq3A_585, %broadcast_in_dim3A_593, %select_n3A_592 : vector<16xi1>, vector<16xf32>
        %broadcast_in_dim3A_595 = vector.broadcast %squeeze3A_555 : f32 to vector<16xf32>
        %select_n3A_596 = arith.select %eq3A_582, %broadcast_in_dim3A_595, %select_n3A_594 : vector<16xi1>, vector<16xf32>
        %broadcast_in_dim3A_597 = vector.broadcast %squeeze3A_553 : f32 to vector<16xf32>
        %select_n3A_598 = arith.select %eq3A_579, %broadcast_in_dim3A_597, %select_n3A_596 : vector<16xi1>, vector<16xf32>
        %broadcast_in_dim3A_599 = vector.broadcast %select_n3A_542 : f32 to vector<16xf32>
        %select_n3A_600 = arith.select %eq3A_576, %broadcast_in_dim3A_599, %select_n3A_598 : vector<16xi1>, vector<16xf32>
        %swap3A_601 = arith.index_cast %while3A_146 : i32 to index
        %swap3A_602 = arith.constant 0 : index
        %swap3A_603 = tpu.vector_load %arg23[%swap3A_601, %swap3A_602] {strides = array<i32>} : memref<768x16xf32, #tpu.memory_space<vmem>>, vector<16xf32>,
        tpu.vector_store %arg23[%swap3A_601, %swap3A_602], %select_n3A_600 {strides = array<i32>} : memref<768x16xf32, #tpu.memory_space<vmem>>, vector<16xf32>,
      } else {
      }
      %convert_element_type3A_564 = arith.extui %gt3A_546 : i1 to i32
      %cond3A_565 = arith.constant 0 : i32
      %cond3A_566 = arith.cmpi ne, %convert_element_type3A_564, %cond3A_565 : i32
      scf.if %cond3A_566 {
        %scan3A_574 = arith.constant 0 : i32
        %scan3A_575 = arith.constant 0 : i32
        %scan3A_576 = arith.constant 80 : i32
        %scan3A_577 = arith.addi %scan3A_575, %scan3A_576 : i32
        %scan3A_578 = arith.constant 1 : i32
        scf.for %scan3A_580 = %scan3A_575 to %scan3A_577 step %scan3A_578  : i32 {
          %mul3A_581 = arith.constant 16 : i32
          %mul3A_582 = arith.muli %scan3A_580, %mul3A_581 : i32
          %get3A_583 = arith.index_cast %mul3A_582 : i32 to index
          %get3A_584 = tpu.vector_load %arg19[%get3A_583] {strides = array<i32>} : memref<1280xf32, #tpu.memory_space<vmem>>, vector<16xf32>,
          %get3A_585 = arith.index_cast %mul3A_582 : i32 to index
          %get3A_586 = tpu.vector_load %arg14[%get3A_585] {strides = array<i32>} : memref<1280xf32, #tpu.memory_space<vmem>>, vector<16xf32>,
          %max3A = vector.broadcast %squeeze3A_553 : f32 to vector<16xf32>
          %max3A_587 = arith.maximumf %get3A_586, %max3A : vector<16xf32>
          %get3A_588 = arith.index_cast %mul3A_582 : i32 to index
          %get3A_589 = tpu.vector_load %arg15[%get3A_588] {strides = array<i32>} : memref<1280xf32, #tpu.memory_space<vmem>>, vector<16xf32>,
          %max3A_590 = vector.broadcast %squeeze3A_555 : f32 to vector<16xf32>
          %max3A_591 = arith.maximumf %get3A_589, %max3A_590 : vector<16xf32>
          %get3A_592 = arith.index_cast %mul3A_582 : i32 to index
          %get3A_593 = tpu.vector_load %arg16[%get3A_592] {strides = array<i32>} : memref<1280xf32, #tpu.memory_space<vmem>>, vector<16xf32>,
          %min3A = vector.broadcast %squeeze3A_557 : f32 to vector<16xf32>
          %min3A_594 = arith.minimumf %get3A_593, %min3A : vector<16xf32>
          %get3A_595 = arith.index_cast %mul3A_582 : i32 to index
          %get3A_596 = tpu.vector_load %arg17[%get3A_595] {strides = array<i32>} : memref<1280xf32, #tpu.memory_space<vmem>>, vector<16xf32>,
          %min3A_597 = vector.broadcast %squeeze3A_559 : f32 to vector<16xf32>
          %min3A_598 = arith.minimumf %get3A_596, %min3A_597 : vector<16xf32>
          %sub3A_599 = arith.subf %min3A_594, %max3A_587 : vector<16xf32>
          %max3A_600 = arith.constant 0.000000e+00 : f32
          %max3A_601 = vector.broadcast %max3A_600 : f32 to vector<16xf32>
          %max3A_602 = arith.maximumf %sub3A_599, %max3A_601 : vector<16xf32>
          %sub3A_603 = arith.subf %min3A_598, %max3A_591 : vector<16xf32>
          %max3A_604 = arith.constant 0.000000e+00 : f32
          %max3A_605 = vector.broadcast %max3A_604 : f32 to vector<16xf32>
          %max3A_606 = arith.maximumf %sub3A_603, %max3A_605 : vector<16xf32>
          %mul3A_607 = arith.mulf %max3A_602, %max3A_606 : vector<16xf32>
          %get3A_608 = arith.index_cast %mul3A_582 : i32 to index
          %get3A_609 = tpu.vector_load %arg18[%get3A_608] {strides = array<i32>} : memref<1280xf32, #tpu.memory_space<vmem>>, vector<16xf32>,
          %sub3A_610 = arith.subf %get3A_609, %mul3A_607 : vector<16xf32>
          %add3A_611 = vector.broadcast %squeeze3A_561 : f32 to vector<16xf32>
          %add3A_612 = arith.addf %sub3A_610, %add3A_611 : vector<16xf32>
          %div3A = arith.divf %mul3A_607, %add3A_612 : vector<16xf32>
          %le3A = arith.constant 3.000000e-01 : f32
          %le3A_613 = vector.broadcast %le3A : f32 to vector<16xf32>
          %le3A_614 = arith.cmpf ole, %div3A, %le3A_613 : vector<16xf32>
          %jit3A_615 = arith.constant -1.000000e+00 : f32
          %broadcast_in_dim3A_616 = vector.broadcast %jit3A_615 : f32 to vector<16xf32>
          %select_n3A_617 = arith.select %le3A_614, %get3A_584, %broadcast_in_dim3A_616 : vector<16xi1>, vector<16xf32>
          %swap3A_618 = arith.index_cast %mul3A_582 : i32 to index
          %swap3A_619 = tpu.vector_load %arg19[%swap3A_618] {strides = array<i32>} : memref<1280xf32, #tpu.memory_space<vmem>>, vector<16xf32>,
          tpu.vector_store %arg19[%swap3A_618], %select_n3A_617 {strides = array<i32>} : memref<1280xf32, #tpu.memory_space<vmem>>, vector<16xf32>,
        }
        %scan3A_579 = arith.constant 80 : i32
      } else {
      }
      %add3A_567 = arith.constant 1 : i32
      %add3A_568 = arith.addi %while3A_146, %add3A_567 : i32
      %select_n3A_569 = arith.select %gt3A_546, %add3A_568, %while3A_146 : i32
      %lt3A = arith.constant 750 : i32
      %lt3A_570 = arith.cmpi slt, %select_n3A_569, %lt3A : i32
      %and3A_571 = arith.andi %gt3A_546, %lt3A_570 : i1
      %add3A_572 = arith.constant 1 : i32
      %add3A_573 = arith.addi %while3A_147, %add3A_572 : i32
      scf.yield %select_n3A_569, %add3A_573, %and3A_571 : i32, i32, i1
    }
    %mul3A_142 = arith.constant 48 : i32
    %mul3A_143 = arith.muli %arg1, %mul3A_142 : i32
    %mul3A_144 = arith.constant 48 : i32
    %mul3A_145 = arith.muli %arg1, %mul3A_144 : i32
    "tpu.region"() ({
      %run_scoped3A_146 = tpu.sem_alloc : memref<!tpu.dma_semaphore, #tpu.memory_space<semaphore_mem>>
      %dma_start3A = arith.constant 0 : i32
      %dma_start3A_147 = tpu.memref_slice %arg23[%mul3A_143, %dma_start3A] : memref<768x16xf32, #tpu.memory_space<vmem>> -> memref<48x16xf32, #tpu.memory_space<vmem>>
      %dma_start3A_148 = arith.constant 0 : i32
      %dma_start3A_149 = tpu.memref_slice %arg5[%arg0, %mul3A_145, %dma_start3A_148] : memref<2x768x16xf32, #tpu.memory_space<hbm>> -> memref<1x48x16xf32, #tpu.memory_space<hbm>>
      %dma_start3A_150 = tpu.memref_squeeze %dma_start3A_149 : memref<1x48x16xf32, #tpu.memory_space<hbm>> -> memref<48x16xf32, #tpu.memory_space<hbm>>
      %dma_start3A_151 = arith.constant 0 : i32
      %dma_start3A_152 = tpu.memref_slice %arg5[%arg0, %mul3A_145, %dma_start3A_151] : memref<2x768x16xf32, #tpu.memory_space<hbm>> -> memref<1x48x16xf32, #tpu.memory_space<hbm>>
      %dma_start3A_153 = tpu.memref_squeeze %dma_start3A_152 : memref<1x48x16xf32, #tpu.memory_space<hbm>> -> memref<48x16xf32, #tpu.memory_space<hbm>>
      %dma_start3A_154 = arith.constant 0 : i32
      %dma_start3A_155 = tpu.memref_slice %arg23[%mul3A_143, %dma_start3A_154] : memref<768x16xf32, #tpu.memory_space<vmem>> -> memref<48x16xf32, #tpu.memory_space<vmem>>
      tpu.enqueue_dma source(%dma_start3A_155 : memref<48x16xf32, #tpu.memory_space<vmem>>) target(%dma_start3A_153 : memref<48x16xf32, #tpu.memory_space<hbm>>) target_semaphore(%run_scoped3A_146 : memref<!tpu.dma_semaphore, #tpu.memory_space<semaphore_mem>>)
      %dma_wait3A = arith.constant 0 : i32
      %dma_wait3A_156 = tpu.memref_slice %arg23[%mul3A_143, %dma_wait3A] : memref<768x16xf32, #tpu.memory_space<vmem>> -> memref<48x16xf32, #tpu.memory_space<vmem>>
      %dma_wait3A_157 = arith.constant 0 : i32
      %dma_wait3A_158 = tpu.memref_slice %arg5[%arg0, %mul3A_145, %dma_wait3A_157] : memref<2x768x16xf32, #tpu.memory_space<hbm>> -> memref<1x48x16xf32, #tpu.memory_space<hbm>>
      %dma_wait3A_159 = tpu.memref_squeeze %dma_wait3A_158 : memref<1x48x16xf32, #tpu.memory_space<hbm>> -> memref<48x16xf32, #tpu.memory_space<hbm>>
      %dma_wait3A_160 = arith.constant 0 : i32
      %dma_wait3A_161 = tpu.memref_slice %arg5[%arg0, %mul3A_145, %dma_wait3A_160] : memref<2x768x16xf32, #tpu.memory_space<hbm>> -> memref<1x48x16xf32, #tpu.memory_space<hbm>>
      %dma_wait3A_162 = tpu.memref_squeeze %dma_wait3A_161 : memref<1x48x16xf32, #tpu.memory_space<hbm>> -> memref<48x16xf32, #tpu.memory_space<hbm>>
      %dma_wait3A_163 = arith.constant 0 : i32
      %dma_wait3A_164 = tpu.memref_slice %arg23[%mul3A_143, %dma_wait3A_163] : memref<768x16xf32, #tpu.memory_space<vmem>> -> memref<48x16xf32, #tpu.memory_space<vmem>>
      tpu.wait_dma2 semaphore(%run_scoped3A_146 : memref<!tpu.dma_semaphore, #tpu.memory_space<semaphore_mem>>) src(%dma_wait3A_164 : memref<48x16xf32, #tpu.memory_space<vmem>>) dst(%dma_wait3A_162 : memref<48x16xf32, #tpu.memory_space<hbm>>)
      tpu.yield
    }) : () -> ()
    return
  }
}

</mosaic_0001>

<sc_bundles>
// kernel: kernel.3.cloned.1.call-start
scs
__scs_entry_jumppad:
0x0: {  	(pc) =	sbr.rel $0x88, $3  }
0x1: {  	(tag) =	ssettag $0x0;
	lr =	simm.s32 $0x1  }
0x2: {  	[smem:$0x3F9E] =	sst lr;
	_ =	strace $0xD0000000  }
0x3: {  	_ = 	snop  }
0x4: {  	_ = 	snop  }
0x5: {  	_ = 	snop  }
0x6: {  	_ = 	snop  }
0x7: {  	_ = 	snop  }
__scs_overlays_trampoline_lowered:
0x8: {  	[smem:$0x3FAD] =	sst s0  }
0x9: {  	[smem:$0x3FAE] =	sst s1  }
0xa: {  	[smem:$0x3FAF] =	sst s2  }
0xb: {  	[smem:$0x3FB0] =	sst s3  }
0xc: {  	[smem:$0x3FB1] =	sst s4  }
0xd: {  	[smem:$0x3FB2] =	sst s5  }
0xe: {  	[smem:$0x3FB3] =	sst s6  }
0xf: {  	[smem:$0x3FB4] =	sst s7  }
0x10: {  	[smem:$0x3FB5] =	sst s8  }
0x11: {  	[smem:$0x3FB6] =	sst s9;
	s0 =	simm.s32 @!p0 $0x0  }
0x12: {  	s1 =	sld [smem:$0x3F9C];
	s0 =	simm.s32 @p0 $0x1  }
0x13: {  	[smem:$0x3FB7] =	sst s0;
	s0 =	simm.s32 @!p1 $0x0  }
0x14: {  	s2 =	sld [smem:$0x3F9B];
	s0 =	simm.s32 @p1 $0x1  }
0x15: {  	[smem:$0x3FB8] =	sst s0;
	s0 =	simm.s32 @!p2 $0x0  }
0x16: {  	s3 =	sld [smem:$0x3FDB];
	s0 =	simm.s32 @p2 $0x1  }
0x17: {  	s4 =	simm.s32 $0x1BF5;
	[smem:$0x3FBA] =	sst s0  }
0x18: {  	s0 =	sld [smem:$0x3F9D];
	_ =	swait.ge [sflag:s4], $0x0  }
0x19: {  	s7 =	sld [smem:$0x3F9E]  }
0x1a: {  	s8 =	sadd.s32 $0xFFFFE003, lr  }
0x1b: {  	s9 =	sadd.s32 $0xFFFFFEF7, lr;
	s5 =	simm.s32 $0xFFFFFFFF;
	p2 =	slt.u32 s8, $0xFFFFF086  }
0x1c: {  	p1 =	slt.u32 s9, $0xF7A;
	s5 =	simm.s32 @!p2 $0x0  }
0x1d: {  	s5 =	simm.s32 @p1 $0x1;
	p0 =	seq.s32 s7, s2  }
0x1e: {  	s7 =	smul.u32 @!p0 $0xF7A, s2;
	p2 =	seq.s32 @!p0 s5, $0x0  }
0x1f: {  	s9 =	smul.u32 $0xF7A, s1;
	s8 =	simm.s32 @!p0 $0x1BF5;
	p2 =	por !p2, p0  }
0x20: {  	[sflag:s8] =	ssyncset.s32 @!p0 $0xFFFFF086;
	s6 =	sadd.s32 @!p0 s3, s7;
	s7 =	simm.s32 @!p0 $0x108  }
0x21: {  	s3 =	sadd.s32 s3, s9;
	s6 =	sadd.s32 @!p0 $0x88, s6;
	s7 =	simm.s32 @p2 $0x1082  }
0x22: {  	[simem:s7], [sflag:s8] =	dma.local @!p0 [hbm:s6], $0xF7A  }
0x23: {  	s9 =	sor.u32 $0xD0000000, s2;
	s6 =	simm.s32 $0x108;
	_ =	swait.ge @!p0 [sflag:s8], $0x0  }
0x24: {  	s3 =	sadd.s32 $0x88, s3;
	s6 =	simm.s32 @!p1 $0x1082;
	[sflag:s4] =	ssyncset.s32 $0xFFFFF086  }
0x25: {  	[simem:s6], [sflag:s4] =	dma.local [hbm:s3], $0xF7A  }
0x26: {  	[smem:$0x3F9E] =	sst s1;
	(tag) =	ssettag s2;
	_ =	strace s9  }
0x27: {  	s1 =	sld [smem:$0x3FAE]  }
0x28: {  	s2 =	sld [smem:$0x3FAF]  }
0x29: {  	s4 =	sld [smem:$0x3FB1]  }
0x2a: {  	p0 =	seq.s32 s5, $0x0;
	s5 =	sld [smem:$0x3FB2]  }
0x2b: {  	s6 =	sld [smem:$0x3FB3]  }
0x2c: {  	s7 =	sld [smem:$0x3FB4]  }
0x2d: {  	s3 =	simm.s32 $0x108;
	s8 =	sld [smem:$0x3FB5]  }
0x2e: {  	s3 =	simm.s32 @!p0 $0x1082;
	s9 =	sld [smem:$0x3FB6]  }
0x2f: {  	lr =	sadd.s32 s0, s3;
	s0 =	sld [smem:$0x3FAD]  }
0x30: {  	s3 =	sld [smem:$0x3FB0]  }
0x31: {  	[smem:$0x3FB9] =	sst s10  }
0x32: {  	s10 =	sld [smem:$0x3FB7];
	_ =	sdelay $0x3  }
0x33: {  	p0 =	seq.s32 s10, $0x1;
	s10 =	sld [smem:$0x3FB9];
	_ =	sdelay $0x3  }
0x34: {  	[smem:$0x3FB9] =	sst s10  }
0x35: {  	s10 =	sld [smem:$0x3FB8];
	_ =	sdelay $0x3  }
0x36: {  	p1 =	seq.s32 s10, $0x1;
	s10 =	sld [smem:$0x3FB9];
	_ =	sdelay $0x3  }
0x37: {  	[smem:$0x3FB9] =	sst s10  }
0x38: {  	s10 =	sld [smem:$0x3FBA]  }
0x39: {  	_ = 	snop;
	(pc) =	sbr.ind lr, $3  }
0x3a: {  	_ = 	snop  }
0x3b: {  	_ = 	snop  }
0x3c: {  	p2 =	seq.s32 s10, $0x1;
	s10 =	sld [smem:$0x3FB9]  }
0x3d: {  	_ =	shalt  }
0x3e: {  	_ =	shalt  }
0x3f: {  	_ =	shalt  }
0x40: {  	_ =	shalt  }
0x41: {  	_ =	shalt  }
0x42: {  	_ =	shalt  }
0x43: {  	_ =	shalt  }
0x44: {  	_ =	shalt  }
0x45: {  	_ =	shalt  }
0x46: {  	_ =	shalt  }
0x47: {  	_ =	shalt  }
0x48: {  	_ =	shalt  }
0x49: {  	_ =	shalt  }
0x4a: {  	_ =	shalt  }
0x4b: {  	_ =	shalt  }
0x4c: {  	_ =	shalt  }
0x4d: {  	_ =	shalt  }
0x4e: {  	_ =	shalt  }
0x4f: {  	_ =	shalt  }
0x50: {  	_ =	shalt  }
0x51: {  	_ =	shalt  }
0x52: {  	_ =	shalt  }
0x53: {  	_ =	shalt  }
0x54: {  	_ =	shalt  }
0x55: {  	_ =	shalt  }
0x56: {  	_ =	shalt  }
0x57: {  	_ =	shalt  }
0x58: {  	_ =	shalt  }
0x59: {  	_ =	shalt  }
0x5a: {  	_ =	shalt  }
0x5b: {  	_ =	shalt  }
0x5c: {  	_ =	shalt  }
0x5d: {  	_ =	shalt  }
0x5e: {  	_ =	shalt  }
0x5f: {  	_ =	shalt  }
0x60: {  	_ =	shalt  }
0x61: {  	_ =	shalt  }
0x62: {  	_ =	shalt  }
0x63: {  	_ =	shalt  }
0x64: {  	_ =	shalt  }
0x65: {  	_ =	shalt  }
0x66: {  	_ =	shalt  }
0x67: {  	_ =	shalt  }
0x68: {  	_ =	shalt  }
0x69: {  	_ =	shalt  }
0x6a: {  	_ =	shalt  }
0x6b: {  	_ =	shalt  }
0x6c: {  	_ =	shalt  }
0x6d: {  	_ =	shalt  }
0x6e: {  	_ =	shalt  }
0x6f: {  	_ =	shalt  }
0x70: {  	_ =	shalt  }
0x71: {  	_ =	shalt  }
0x72: {  	_ =	shalt  }
0x73: {  	_ =	shalt  }
0x74: {  	_ =	shalt  }
0x75: {  	_ =	shalt  }
0x76: {  	_ =	shalt  }
0x77: {  	_ =	shalt  }
0x78: {  	_ =	shalt  }
0x79: {  	_ =	shalt  }
0x7a: {  	_ =	shalt  }
0x7b: {  	_ =	shalt  }
0x7c: {  	_ =	shalt  }
0x7d: {  	_ =	shalt  }
0x7e: {  	_ =	shalt  }
0x7f: {  	_ =	shalt  }
0x80: {  	_ =	shalt  }
0x81: {  	_ =	shalt  }
0x82: {  	_ =	shalt  }
0x83: {  	_ =	shalt  }
0x84: {  	_ =	shalt  }
0x85: {  	_ =	shalt  }
0x86: {  	_ =	shalt  }
0x87: {  	_ =	shalt  }
.Lfunc_end0:
.L_simem_size_0:
called_computation_lowered:
.L_overlay_start_0:
0x88: {  	s2 =	sld [smem:$0x3FD9]  }
0x89: {  	s3 =	sld [smem:$0x3FFE];
	_ =	sdelay $0x1  }
0x8a: {  	s1 =	srdreg.scid  }
0x8b: {  	s0 =	sand.u32 $0x1, s1  }
0x8c: {  	s16 =	sshll.u32 s0, $0xA;
	s2 =	sadd.s32 s3, s2  }
0x8d: {  	s2 =	sadd.s32 s2, s16  }
0x8e: {  	[smem:$0x3FC5] =	sst s2  }
0x8f: {  	_ = 	snop  }
0x90: {  	(tm) =	ssettm $0x1  }
0x91: {  	s17 =	sld [smem:$0x3FFB];
	_ =	sdelay $0x3  }
0x92: {  	_ =	strace s17  }
0x93: {  	s2 =	sld [smem:$0x3FFC];
	_ =	sdelay $0x3  }
0x94: {  	_ =	strace s2  }
0x95: {  	s2 =	sld [smem:$0x3FFD];
	_ =	sdelay $0x3  }
0x96: {  	_ =	strace s2  }
0x97: {  	_ =	strace $0x8FFFFFFF  }
0x98: {  	s18 =	sld [smem:$0x3FDB];
	_ =	sdelay $0x1  }
0x99: {  	s19 =	simm.s32 $_scs_section_size  }
0x9a: {  	s4 =	simm.s32 $_size__tile_overlayer_lowered;
	s5 =	simm.s32 $_tile_overlayer_lowered  }
0x9b: {  	s22 =	simm.s32 $0x1BFF;
	s21 =	sshll.u32 s5, $0x1;
	s2 =	sadd.s32 s19, s18  }
0x9c: {  	s6 =	simm.s32 $0x0;
	s20 =	sshll.u32 s4, $0x1;
	s4 =	sadd.s32 s21, s2  }
0x9d: {  	[timem:s6], [sflag:s22] =	dma.local [hbm:s4], s20  }
0x9e: {  	_ =	swait.ge [sflag:s22], s20  }
0x9f: {  	s3 =	ssub.s32 $0x0, s20;
	[sflag:s22] =	ssyncset.done $0x0  }
0xa0: {  	[sflag:s22] =	ssyncadd.s32 s3;
	_ =	sdelay $0x1  }
0xa1: {  	s23 =	simm.s32 $0x1B8B  }
0xa2: {  	_ =	swait.ge [sflag:s23], $0x1  }
0xa3: {  	[sflag:s23] =	ssyncset.done $0x0  }
0xa4: {  	s25 =	simm.s32 $0x1B8E;
	s24 =	sld [smem:$0x3FFE];
	[sflag:s23] =	ssyncadd.s32 $0xFFFFFFFF  }
0xa5: {  	s26 =	simm.s32 $execute0_lowered;
	[smem:$0x3FD2] =	sst s25  }
0xa6: {  	s4 =	sshll.u32 s26, $0x1;
	_ =	strace $0x80000046;
	[dreg:$0x1] =	wrdreg $0xFFFFFFFF  }
0xa7: {  	s28 =	simm.s32 $_size_execute0_lowered;
	s2 =	sadd.s32 s2, s4;
	[dreg:$0x0] =	wrdreg $0x0  }
0xa8: {  	s4 =	sshll.u32 s28, $0x1;
	[dreg:$0x2] =	wrdreg s2  }
0xa9: {  	[dreg:$0x3] =	wrdreg s4  }
0xaa: {  	[dreg:$0x4] =	wrdreg $0xC0  }
0xab: {  	_ =	task [dreg:s6], $0x5FFFF  }
0xac: {  	[dreg:$0x1] =	wrdreg $0xFFFFFFFF  }
0xad: {  	[dreg:$0x0] =	wrdreg $0x60  }
0xae: {  	[dreg:$0x2] =	wrdreg s24  }
0xaf: {  	[dreg:$0x3] =	wrdreg $0x1D6800  }
0xb0: {  	[dreg:$0x4] =	wrdreg $0x9  }
0xb1: {  	_ =	task.clear_ibuf [dreg:s6], $0x5FFFF;
	_ =	strace $0x90000046  }
0xb2: {  	s29 =	simm.s32 $0x9;
	_ =	strace $0x80000048  }
0xb3: {  	_ =	swait.ge [sflag:s29], $0x1  }
0xb4: {  	[sflag:s29] =	ssyncadd.s32 $0xFFFFFFFF  }
0xb5: {  	_ =	strace $0x90000048  }
0xb6: {  	_ =	sfence  }
0xb7: {  	s30 =	sld [smem:$0x0];
	_ =	sdelay $0x2  }
0xb8: {  	s31 =	sshll.u32 s1, $0xD;
	s1 =	sshrl.u32 s1, $0x2  }
0xb9: {  	s3 =	sand.u32 $0x4000, s31;
	s1 =	sadd.s32 s1, s30  }
0xba: {  	s0 =	sor.u32 s3, s0;
	s1 =	sshll.u32 s1, $0x11  }
0xbb: {  	s0 =	sor.u32 s1, s0  }
0xbc: {  	s0 =	sadd.s32 $0x8F2B, s0  }
0xbd: {  	[sflag:s0] =	ssyncadd.remote.s32 $0x1  }
0xbe: {  	_ =	sfence.sel $0xFFFF  }
0xbf: {  	[dreg:$0x0] =	wrdreg $0xFFFFFFFF;
	(pc) =	sbr.abs _section_cstart, $3  }
0xc0: {  	[dreg:$0x1] =	wrdreg $0xFFFFFFFF  }
0xc1: {  	_ =	task.clear_ibuf [dreg:s6], $0x2FFFF;
	_ =	strace $0x9FFFFFFF  }
0xc2: {  	(tm) =	ssettm $0x7FFFFFFF  }
0xc3: {  	_ =	shalt  }
tec
execute0_lowered:
.L_overlay_start_1:
0x0: {  	(tag) =	ssettag $0x1  }
0x1: {  	s1 =	srdreg.scid  }
0x2: {  	s0 =	rddreg [dreg:$0x0];
	s3 =	sand.u32 $0x1, s1  }
0x3: {  	s1 =	stileid.u32;
	s4 =	smul.u32 $0x14000, s3  }
0x4: {  	s2 =	rddreg [dreg:$0x1];
	s6 =	simm.s32 $0x0;
	s5 =	smul.u32 $0x1400, s1  }
0x5: {  	s28 =	simm.s32 $0x4600;
	s29 =	simm.s32 $0x0;
	s14 =	smul.u32 $0xA00, s1  }
0x6: {  	[smem:$0x7FF] =	sst s6;
	s13 =	sadd.s32 $0x800, s2;
	s8 =	smul.u32 $0x18000, s3  }
0x7: {  	s7 =	sshll.u32 s3, $0x7;
	s15 =	smul.u32 $0x1800, s1;
	_ =	strace $0x80000047  }
0x8: {  	s3 =	ssub.s32 $0x2, s3;
	s26 =	smul.u32 $0x6000, s1;
	s30 =	sshll.u32 s1, $0x7  }
0x9: {  	s18 =	sshrl.u32 s3, $0x1;
	s4 =	sadd.s32 s5, s4;
	s6 =	sor.u32 s7, s14  }
0xa: {  	s17 =	sadd.s32 s15, s8;
	s5 =	sshrl.u32 s5, $0x3;
	s3 =	ssub.s32 s3, s18  }
0xb: {  	s15 =	sadd.s32 s30, s13;
	s31 =	sshrl.u32 s26, $0x2;
	s26 =	simm.s32 $0x3C00  }
0xc: {  	s4 =	sshrl.u32 s4, $0x3;
	s16 =	sshrl.u32 s6, $0x3;
	s5 =	sadd.s32 s5, s0  }
0xd: {  	s18 =	smax.u32 s3, $0x1;
	s3 =	simm.s32 $0x4E00;
	s23 =	sadd.s32 $0x1C00, s5  }
0xe: {  	v0 =	vimm.f32 $2.000000000e+00;
	s9 =	sadd.s32 s4, s0;
	s24 =	sadd.s32 $0x1C10, s5;
	[dreg:$0x7] =	wrdreg s23  }
0xf: {  	(erf) = vrcp.f32 v0;
	s6 =	sadd.s32 s16, s0;
	s25 =	sadd.s32 $0x1C20, s5;
	[dreg:$0x8] =	wrdreg s24  }
0x10: {  	s4 =	sshrl.u32 s17, $0x3;
	s5 =	sadd.s32 $0x1C30, s5;
	[dreg:$0x9] =	wrdreg s25  }
0x11: {  	s17 =	sadd.s32 $0x5680, s31;
	s19 =	sadd.s32 $0x4400, s9;
	[dreg:$0xa] =	wrdreg s5  }
0x12: {  	s0 =	sadd.s32 s4, s0;
	s20 =	sadd.s32 $0x4410, s9;
	[dreg:$0x3] =	wrdreg s19  }
0x13: {  	s4 =	smul.u32 $0x500, s1;
	s21 =	sadd.s32 $0x4420, s9;
	[dreg:$0x4] =	wrdreg s20  }
.Ltmp0:
0x14: {  	s22 =	sadd.s32 $0x4430, s9;
	[dreg:$0x5] =	wrdreg s21;
	(pc) =	sbr.rel .LBB2_1-.Ltmp0, $4  }
0x15: {  	s6 =	sadd.s32 $0x800, s6;
	s23 =	simm.s32 $0x2D00;
	[dreg:$0x6] =	wrdreg s22  }
0x16: {  	v1 =	vimm.s32 $0x0;
	v2 =	vlaneseq.u32;
	s24 =	simm.s32 $0x3200;
	s25 =	simm.s32 $0x3700;
	[dreg:$0xb] =	wrdreg s6  }
0x17: {  	vm0 =	vcmask $0x3F18;
	vm1 =	vcmask $0x3F14;
	vm2 =	vcmask $0x3F10;
	s16 =	sadd.s32 $0x9400, s0;
	s19 =	simm.s32 $0x80;
	s20 =	simm.s32 $0x200  }
0x18: {  	vm3 =	vcmask $0x3F0C;
	vm4 =	vcmask $0x3F08;
	v0 =	vimm.f32 $0.0e+00;
	s21 =	simm.s32 $0x1;
	s0 =	simm.s32 $0x5600;
	s22 =	simm.s32 $0x2800;
	v3 =	vpop (erf)  }
.LBB2_24:
0x19: {  	s29 =	sadd.s32 $0x1, s29  }
0x1a: {  	p0 =	sne.s32 s29, s18  }
.Ltmp1:
0x1b: {  	s5 =	simm.s32 $0x0;
	(pc) =	sbr.rel @!p0 .LBB2_25-.Ltmp1, $4  }
0x1c: {  	[hbm4b:s16+s5] =	stream.linear.scatter [tilespmem:s17], [sflag:$0x1], $0x1800, $0x38;
	[tilespmem:$0x1D6C0] =	vst v63  }
0x1d: {  	_ =	swait.ge [sflag:s21], $0x1800  }
0x1e: {  	[sflag:s21] =	ssyncset.done $0x0  }
0x1f: {  	[sflag:s21] =	ssyncadd.s32 $0xFFFFE800  }
.LBB2_1:
0x20: {  	s5 =	simm.s32 $0x200;
	s6 =	simm.s32 $0x0  }
.LBB2_2:
0x21: {  	p0 =	sne.s32 s5, $0x5FE00;
	[tilespmem:s6+$0x5680] =	vst v0;
	s6 =	smov.u32 s5;
	s5 =	sadd.s32 $0x200, s5  }
.Ltmp2:
0x22: {  	(pc) =	sbr.rel @p0 .LBB2_2-.Ltmp2, $2  }
0x23: {  	_ =	sdelay $0x2  }
0x24: {  	s6 =	sshra.s32 s6, $0x2  }
0x25: {  	[tilespmem:s6+$0x5680] =	vst v0;
	s30 =	simm.s32 $0x0;
	s5 =	rddreg [dreg:$0x3]  }
0x26: {  	[tilespmem:s30], [sflag:$0x1] =	stream.strided.gather [hbm4b:s5+s19], $0x500, s20, s19, $0x38;
	[tilespmem:$0x1D6C0] =	vst v63  }
0x27: {  	_ =	swait.ge [sflag:s21], $0x500  }
0x28: {  	[sflag:s21] =	ssyncset.done $0x0  }
0x29: {  	s7 =	simm.s32 $0x500;
	s6 =	rddreg [dreg:$0x4];
	[sflag:s21] =	ssyncadd.s32 $0xFFFFFB00  }
0x2a: {  	[tilespmem:s7], [sflag:$0x1] =	stream.strided.gather [hbm4b:s6+s19], $0x500, s20, s19, $0x38;
	[tilespmem:$0x1D6C0] =	vst v63  }
0x2b: {  	_ =	swait.ge [sflag:s21], $0x500  }
0x2c: {  	[sflag:s21] =	ssyncset.done $0x0  }
0x2d: {  	s9 =	simm.s32 $0xA00;
	s8 =	rddreg [dreg:$0x5];
	[sflag:s21] =	ssyncadd.s32 $0xFFFFFB00  }
0x2e: {  	[tilespmem:s9], [sflag:$0x1] =	stream.strided.gather [hbm4b:s8+s19], $0x500, s20, s19, $0x38;
	[tilespmem:$0x1D6C0] =	vst v63  }
0x2f: {  	_ =	swait.ge [sflag:s21], $0x500  }
0x30: {  	[sflag:s21] =	ssyncset.done $0x0  }
0x31: {  	s11 =	simm.s32 $0xF00;
	s10 =	rddreg [dreg:$0x6];
	[sflag:s21] =	ssyncadd.s32 $0xFFFFFB00  }
0x32: {  	[tilespmem:s11], [sflag:$0x1] =	stream.strided.gather [hbm4b:s10+s19], $0x500, s20, s19, $0x38;
	[tilespmem:$0x1D6C0] =	vst v63  }
0x33: {  	_ =	swait.ge [sflag:s21], $0x500  }
0x34: {  	[sflag:s21] =	ssyncset.done $0x0  }
0x35: {  	s14 =	simm.s32 $0x1400;
	s12 =	rddreg [dreg:$0x7];
	[sflag:s21] =	ssyncadd.s32 $0xFFFFFB00  }
0x36: {  	[tilespmem:s14], [sflag:$0x1] =	stream.strided.gather [hbm4b:s12+s19], $0x500, s20, s19, $0x38;
	[tilespmem:$0x1D6C0] =	vst v63  }
0x37: {  	_ =	swait.ge [sflag:s21], $0x500  }
0x38: {  	[sflag:s21] =	ssyncset.done $0x0  }
0x39: {  	s7 =	simm.s32 $0x1900;
	s6 =	rddreg [dreg:$0x8];
	[sflag:s21] =	ssyncadd.s32 $0xFFFFFB00  }
0x3a: {  	[tilespmem:s7], [sflag:$0x1] =	stream.strided.gather [hbm4b:s6+s19], $0x500, s20, s19, $0x38;
	[tilespmem:$0x1D6C0] =	vst v63  }
0x3b: {  	_ =	swait.ge [sflag:s21], $0x500  }
0x3c: {  	[sflag:s21] =	ssyncset.done $0x0  }
0x3d: {  	s9 =	simm.s32 $0x1E00;
	s8 =	rddreg [dreg:$0x9];
	[sflag:s21] =	ssyncadd.s32 $0xFFFFFB00  }
0x3e: {  	[tilespmem:s9], [sflag:$0x1] =	stream.strided.gather [hbm4b:s8+s19], $0x500, s20, s19, $0x38;
	[tilespmem:$0x1D6C0] =	vst v63  }
0x3f: {  	_ =	swait.ge [sflag:s21], $0x500  }
0x40: {  	[sflag:s21] =	ssyncset.done $0x0  }
0x41: {  	s11 =	simm.s32 $0x2300;
	s10 =	rddreg [dreg:$0xa];
	[sflag:s21] =	ssyncadd.s32 $0xFFFFFB00  }
0x42: {  	[tilespmem:s11], [sflag:$0x1] =	stream.strided.gather [hbm4b:s10+s19], $0x500, s20, s19, $0x38;
	[tilespmem:$0x1D6C0] =	vst v63  }
0x43: {  	_ =	swait.ge [sflag:s21], $0x500  }
0x44: {  	s14 =	simm.s32 $0x100;
	[sflag:s21] =	ssyncset.done $0x0  }
0x45: {  	s7 =	simm.s32 $0x4100;
	s12 =	rddreg [dreg:$0xb];
	[sflag:s21] =	ssyncadd.s32 $0xFFFFFB00  }
0x46: {  	[tilespmem:s7], [sflag:$0x1] =	stream.strided.gather [hbm4b:s12+s19], $0x500, s14, s19, $0x38;
	[tilespmem:$0x1D6C0] =	vst v63  }
0x47: {  	_ =	swait.ge [sflag:s21], $0x500  }
0x48: {  	[sflag:s21] =	ssyncset.done $0x0  }
0x49: {  	s8 =	simm.s32 $0x0;
	[sflag:s21] =	ssyncadd.s32 $0xFFFFFB00  }
0x4a: {  	v4 =	vld [tilespmem:s8+$0x4100];
	_ =	sdelay $0x1  }
0x4b: {  	v5 =	vld [tilespmem:s8+$0xA00]  }
0x4c: {  	v6 =	vld [tilespmem:s8+$0xF00]  }
0x4d: {  	v7 =	vld [tilespmem:s8+$0x0]  }
0x4e: {  	v9 =	vld [tilespmem:s8+$0x500];
	vm5 =	vgt.f32 v4, $5.000000070e-02  }
0x4f: {  	v11 =	vld [tilespmem:s8+$0x1E00];
	v4 =	vnsel vm5, $0xBF800000, v4  }
0x50: {  	v13 =	vld [tilespmem:s8+$0x2300];
	[tilespmem:s8+$0x4100] =	vst v4;
	v4 =	vmul.f32 $2.000000030e-01, v5  }
0x51: {  	s6 =	simm.s32 $0x10;
	v12 =	vld [tilespmem:s8+$0x1400];
	v6 =	vmul.f32 $2.000000030e-01, v6  }
0x52: {  	v14 =	vld [tilespmem:s6+$0x4100];
	v4 =	vmul.f32 $1.442695020e+00, v4  }
0x53: {  	v5 =	vld [tilespmem:s8+$0x1900];
	v6 =	vmul.f32 $1.442695020e+00, v6  }
0x54: {  	v15 =	vld [tilespmem:s6+$0xA00];
	(erf) = vpow2.f32 v4  }
0x55: {  	v16 =	vld [tilespmem:s6+$0xF00];
	(erf) = vpow2.f32 v6  }
0x56: {  	v10 =	vld [tilespmem:s6+$0x1E00]  }
0x57: {  	v8 =	vld [tilespmem:s6+$0x2300];
	vm5 =	vgt.f32 v14, $5.000000070e-02  }
0x58: {  	v7 =	vmul.f32 $1.000000010e-01, v7;
	v4 =	vld [tilespmem:s6+$0x0];
	v14 =	vnsel vm5, $0xBF800000, v14  }
0x59: {  	v9 =	vmul.f32 $1.000000010e-01, v9;
	v17 =	vld [tilespmem:s6+$0x1400];
	[tilespmem:s6+$0x4100] =	vst v14;
	v14 =	vmul.f32 $2.000000030e-01, v15  }
0x5a: {  	s31 =	simm.s32 $0x20;
	v7 =	vmul.f32 v11, v7;
	v6 =	vld [tilespmem:s6+$0x500];
	v16 =	vmul.f32 $2.000000030e-01, v16  }
0x5b: {  	v18 =	vld [tilespmem:s31+$0x4100];
	v14 =	vmul.f32 $1.442695020e+00, v14  }
0x5c: {  	v9 =	vmul.f32 v13, v9;
	v16 =	vmul.f32 $1.442695020e+00, v16;
	v19 =	vld [tilespmem:s31+$0xA00]  }
0x5d: {  	v15 =	vld [tilespmem:s6+$0x1900];
	v4 =	vmul.f32 $1.000000010e-01, v4;
	v20 =	vpop (erf);
	(erf) = vpow2.f32 v14  }
0x5e: {  	v22 =	vadd.f32 v7, v12;
	v21 =	vld [tilespmem:s31+$0xF00];
	v12 =	vmul.f32 v11, v20;
	v7 =	vpop (erf);
	(erf) = vpow2.f32 v16  }
0x5f: {  	v23 =	vadd.f32 v9, v5;
	v4 =	vmul.f32 v10, v4;
	v20 =	vld [tilespmem:s31+$0x0];
	v13 =	vmul.f32 v13, v7  }
0x60: {  	v6 =	vmul.f32 $1.000000010e-01, v6;
	v14 =	vld [tilespmem:s31+$0x500];
	vm5 =	vgt.f32 v18, $5.000000070e-02;
	v9 =	vmul.f32 v12, v3  }
0x61: {  	v5 =	vld [tilespmem:s31+$0x1E00];
	v7 =	vadd.f32 v4, v17;
	v17 =	vmul.f32 $2.000000030e-01, v19;
	v16 =	vmul.f32 v13, v3  }
0x62: {  	v6 =	vmul.f32 v8, v6;
	v11 =	vld [tilespmem:s31+$0x1400];
	v18 =	vnsel vm5, $0xBF800000, v18;
	v24 =	vsub.f32 $0.0e+00, v9  }
0x63: {  	v21 =	vmul.f32 $2.000000030e-01, v21;
	v4 =	vld [tilespmem:s31+$0x2300];
	[tilespmem:s31+$0x4100] =	vst v18;
	v19 =	vmul.f32 $1.442695020e+00, v17;
	v18 =	vsub.f32 $0.0e+00, v16  }
0x64: {  	s5 =	simm.s32 $0x30;
	s10 =	simm.s32 $0x140;
	s11 =	simm.s32 $0x1C0;
	v9 =	vadd.f32 v6, v15;
	v6 =	vld [tilespmem:s31+$0x1900];
	v16 =	vmul.f32 $1.000000010e-01, v20;
	v17 =	vadd.f32 v24, v22  }
0x65: {  	s9 =	simm.s32 $0x100;
	s7 =	simm.s32 $0x180;
	v15 =	vld [tilespmem:s5+$0x4100];
	v14 =	vmul.f32 $1.000000010e-01, v14;
	v20 =	vmul.f32 $1.442695020e+00, v21;
	v18 =	vadd.f32 v18, v23  }
.LBB2_4:
0x66: {  	p0 =	sne.s32 s11, $0x13C0;
	v21 =	vld [tilespmem:s5+$0xA00];
	v16 =	vmul.f32 v5, v16;
	(erf) = vpow2.f32 v19;
	v19 =	vpop (erf);
	v22 =	vadd.f32 v17, v12;
	[tilespmem:s8+$0x2800] =	vst v17;
	s12 =	smov.u32 s31;
	s31 =	smov.u32 s5  }
0x67: {  	s14 =	smov.u32 s7;
	s7 =	smov.u32 s11;
	v23 =	vld [tilespmem:s31+$0xF00];
	(erf) = vpow2.f32 v20;
	v12 =	vmul.f32 v10, v19;
	v10 =	vpop (erf);
	v19 =	vadd.f32 v18, v13;
	[tilespmem:s8+$0x2D00] =	vst v18  }
0x68: {  	v20 =	vld [tilespmem:s31+$0x0];
	v24 =	vadd.f32 v16, v11;
	v11 =	vmul.f32 v4, v14;
	v13 =	vmul.f32 v8, v10;
	[tilespmem:s8+$0x3200] =	vst v22  }
0x69: {  	v17 =	vsub.f32 v22, v17;
	v14 =	vld [tilespmem:s31+$0x500];
	v16 =	vmul.f32 v12, v3;
	[tilespmem:s8+$0x3700] =	vst v19;
	v18 =	vsub.f32 v19, v18  }
.Ltmp3:
0x6a: {  	v10 =	vmovc v5;
	v8 =	vmovc v4;
	vm5 =	vgt.f32 v15, $5.000000070e-02;
	v22 =	vadd.f32 v11, v6;
	v6 =	vmul.f32 v13, v3;
	v5 =	vld [tilespmem:s31+$0x1E00];
	(pc) =	sbr.rel @p0 .LBB2_4-.Ltmp3, $4  }
0x6b: {  	v4 =	vld [tilespmem:s31+$0x2300];
	v19 =	vmul.f32 $2.000000030e-01, v21;
	v15 =	vnsel vm5, $0xBF800000, v15;
	v21 =	vsub.f32 $0.0e+00, v16  }
0x6c: {  	v26 =	vmul.f32 v18, v17;
	v11 =	vld [tilespmem:s31+$0x1400];
	v23 =	vmul.f32 $2.000000030e-01, v23;
	[tilespmem:s31+$0x4100] =	vst v15;
	v25 =	vsub.f32 $0.0e+00, v6  }
0x6d: {  	s5 =	sshra.s32 s9, $0x2;
	s9 =	smov.u32 s10;
	s10 =	smov.u32 s14;
	v6 =	vld [tilespmem:s31+$0x1900];
	v16 =	vmul.f32 $1.000000010e-01, v20;
	v19 =	vmul.f32 $1.442695020e+00, v19;
	v17 =	vadd.f32 v21, v7;
	v7 =	vmovc v24  }
0x6e: {  	s11 =	sadd.s32 $0x40, s11;
	v15 =	vld [tilespmem:s5+$0x4100];
	v14 =	vmul.f32 $1.000000010e-01, v14;
	v20 =	vmul.f32 $1.442695020e+00, v23;
	v18 =	vadd.f32 v25, v9;
	[tilespmem:s8+$0x3C00] =	vst v26;
	v9 =	vmovc v22;
	s8 =	smov.u32 s6;
	s6 =	smov.u32 s12  }
0x6f: {  	v21 =	vld [tilespmem:s5+$0xA00];
	[tilespmem:s8+$0x2800] =	vst v17;
	v12 =	vadd.f32 v17, v12;
	v24 =	vpop (erf);
	(erf) = vpow2.f32 v19  }
0x70: {  	v22 =	vld [tilespmem:s5+$0xF00];
	[tilespmem:s8+$0x2D00] =	vst v18;
	v13 =	vadd.f32 v18, v13;
	v10 =	vmul.f32 v10, v24;
	v29 =	vpop (erf);
	(erf) = vpow2.f32 v20  }
0x71: {  	v23 =	vld [tilespmem:s5+$0x0];
	[tilespmem:s8+$0x3200] =	vst v12;
	v8 =	vmul.f32 v8, v29  }
0x72: {  	v12 =	vsub.f32 v12, v17;
	v25 =	vld [tilespmem:s5+$0x500];
	[tilespmem:s8+$0x3700] =	vst v13;
	v30 =	vmul.f32 v10, v3  }
0x73: {  	v13 =	vsub.f32 v13, v18;
	v26 =	vld [tilespmem:s5+$0x1E00];
	vm5 =	vgt.f32 v15, $5.000000070e-02;
	v32 =	vmul.f32 v8, v3  }
0x74: {  	v27 =	vld [tilespmem:s5+$0x2300];
	v15 =	vnsel vm5, $0xBF800000, v15;
	v33 =	vsub.f32 $0.0e+00, v30;
	v38 =	vmul.f32 $2.000000030e-01, v21  }
0x75: {  	v31 =	vld [tilespmem:s5+$0x1400];
	v12 =	vmul.f32 v13, v12;
	[tilespmem:s5+$0x4100] =	vst v15;
	v15 =	vsub.f32 $0.0e+00, v32  }
0x76: {  	s9 =	sshra.s32 s9, $0x2;
	v34 =	vld [tilespmem:s5+$0x1900];
	v7 =	vadd.f32 v33, v7;
	v20 =	vmul.f32 $1.442695020e+00, v38  }
0x77: {  	v35 =	vld [tilespmem:s9+$0x4100];
	[tilespmem:s8+$0x3C00] =	vst v12;
	v9 =	vadd.f32 v15, v9  }
0x78: {  	v16 =	vmul.f32 v5, v16;
	v12 =	vld [tilespmem:s9+$0xA00];
	[tilespmem:s6+$0x2800] =	vst v7;
	v10 =	vadd.f32 v7, v10;
	v39 =	vpop (erf);
	(erf) = vpow2.f32 v20  }
0x79: {  	v36 =	vld [tilespmem:s9+$0xF00];
	[tilespmem:s6+$0x2D00] =	vst v9;
	v8 =	vadd.f32 v9, v8;
	v5 =	vmul.f32 v5, v39;
	v41 =	vpop (erf)  }
0x7a: {  	v11 =	vadd.f32 v16, v11;
	v49 =	vmul.f32 $2.000000030e-01, v22;
	v37 =	vld [tilespmem:s9+$0x0];
	[tilespmem:s6+$0x3200] =	vst v10;
	v16 =	vmul.f32 v4, v41  }
0x7b: {  	v7 =	vsub.f32 v10, v7;
	v4 =	vmul.f32 v4, v14;
	v40 =	vld [tilespmem:s9+$0x500];
	[tilespmem:s6+$0x3700] =	vst v8;
	v21 =	vmul.f32 v5, v3  }
0x7c: {  	v8 =	vsub.f32 v8, v9;
	vm5 =	vgt.f32 v35, $5.000000070e-02;
	v42 =	vld [tilespmem:s9+$0x1E00];
	v46 =	vmul.f32 v16, v3  }
0x7d: {  	v52 =	vmul.f32 $1.000000010e-01, v23;
	v43 =	vld [tilespmem:s9+$0x2300];
	v44 =	vnsel vm5, $0xBF800000, v35;
	v21 =	vsub.f32 $0.0e+00, v21  }
0x7e: {  	s12 =	sshra.s32 s10, $0x2;
	v45 =	vld [tilespmem:s9+$0x1400];
	v4 =	vadd.f32 v4, v6;
	[tilespmem:s9+$0x4100] =	vst v44;
	v7 =	vmul.f32 v8, v7;
	v48 =	vsub.f32 $0.0e+00, v46  }
0x7f: {  	v20 =	vmul.f32 $1.442695020e+00, v49;
	v6 =	vld [tilespmem:s12+$0x4100];
	v11 =	vadd.f32 v21, v11  }
0x80: {  	v22 =	vmul.f32 v26, v52;
	v47 =	vld [tilespmem:s9+$0x1900];
	[tilespmem:s6+$0x3C00] =	vst v7;
	v4 =	vadd.f32 v48, v4  }
0x81: {  	(erf) = vpow2.f32 v20;
	v12 =	vmul.f32 $2.000000030e-01, v12;
	v7 =	vld [tilespmem:s12+$0xA00];
	[tilespmem:s31+$0x2800] =	vst v11;
	v5 =	vadd.f32 v11, v5;
	v53 =	vpop (erf)  }
0x82: {  	v50 =	vld [tilespmem:s12+$0xF00];
	[tilespmem:s31+$0x2D00] =	vst v4;
	v16 =	vadd.f32 v4, v16;
	v20 =	vmul.f32 v26, v53  }
0x83: {  	v17 =	vadd.f32 v22, v31;
	v15 =	vmul.f32 $2.000000030e-01, v36;
	v12 =	vmul.f32 $1.442695020e+00, v12;
	v51 =	vld [tilespmem:s12+$0x0];
	[tilespmem:s31+$0x3200] =	vst v5  }
0x84: {  	v60 =	vmul.f32 $1.000000010e-01, v37;
	vm5 =	vgt.f32 v6, $5.000000070e-02;
	v54 =	vld [tilespmem:s12+$0x500];
	[tilespmem:s31+$0x3700] =	vst v16;
	v26 =	vmul.f32 v20, v3  }
0x85: {  	v5 =	vsub.f32 v5, v11;
	v4 =	vsub.f32 v16, v4;
	v6 =	vnsel vm5, $0xBF800000, v6;
	v55 =	vld [tilespmem:s12+$0x1E00]  }
0x86: {  	(erf) = vpow2.f32 v12;
	v56 =	vld [tilespmem:s12+$0x2300];
	[tilespmem:s12+$0x4100] =	vst v6;
	v6 =	vmul.f32 $1.442695020e+00, v15;
	v58 =	vsub.f32 $0.0e+00, v26  }
0x87: {  	v24 =	vmul.f32 $1.000000010e-01, v40;
	v57 =	vld [tilespmem:s12+$0x1400];
	v4 =	vmul.f32 v4, v5  }
0x88: {  	s14 =	sshra.s32 s7, $0x2;
	v5 =	vld [tilespmem:s12+$0x1900];
	(erf) = vpow2.f32 v6;
	v6 =	vmul.f32 $2.000000030e-01, v7;
	v7 =	vadd.f32 v58, v17  }
0x89: {  	v25 =	vmul.f32 $1.000000010e-01, v25;
	v28 =	vmul.f32 v42, v60;
	v59 =	vld [tilespmem:s14+$0x4100];
	[tilespmem:s31+$0x3C00] =	vst v4  }
0x8a: {  	v29 =	vmul.f32 v43, v24;
	v61 =	vpop (erf);
	v14 =	vmul.f32 $2.000000030e-01, v50;
	v62 =	vld [tilespmem:s14+$0xA00];
	[tilespmem:s5+$0x2800] =	vst v7  }
0x8b: {  	v4 =	vmul.f32 v27, v25;
	v17 =	vmul.f32 v27, v61;
	v63 =	vld [tilespmem:s14+$0xF00]  }
0x8c: {  	v21 =	vmul.f32 $1.000000010e-01, v51;
	v6 =	vmul.f32 $1.442695020e+00, v6  }
0x8d: {  	v14 =	vmul.f32 $1.442695020e+00, v14;
	v39 =	vmul.f32 $1.000000010e-01, v54  }
0x8e: {  	(erf) = vpow2.f32 v6;
	v6 =	vmul.f32 v17, v3  }
0x8f: {  	v13 =	vadd.f32 v28, v45;
	(erf) = vpow2.f32 v14;
	v30 =	vmul.f32 $2.000000030e-01, v62  }
0x90: {  	v31 =	vpop (erf);
	v4 =	vadd.f32 v4, v34;
	v6 =	vsub.f32 $0.0e+00, v6;
	v32 =	vmul.f32 $2.000000030e-01, v63  }
0x91: {  	v8 =	vadd.f32 v29, v47;
	v10 =	vmul.f32 v42, v31;
	v14 =	vmul.f32 $1.442695020e+00, v30  }
0x92: {  	v15 =	vmul.f32 v56, v39;
	v4 =	vadd.f32 v6, v4;
	v33 =	vpop (erf);
	v35 =	vmul.f32 $1.442695020e+00, v32  }
0x93: {  	v34 =	vadd.f32 v7, v20;
	v9 =	vmul.f32 v43, v33;
	(erf) = vpow2.f32 v14  }
0x94: {  	v37 =	vmul.f32 v10, v3;
	[tilespmem:s5+$0x2D00] =	vst v4;
	v17 =	vadd.f32 v4, v17;
	(erf) = vpow2.f32 v35  }
0x95: {  	vm5 =	vgt.f32 v59, $5.000000070e-02;
	v7 =	vsub.f32 v34, v7;
	v36 =	vld [tilespmem:s14+$0x0];
	[tilespmem:s5+$0x3200] =	vst v34;
	v38 =	vmul.f32 v9, v3  }
0x96: {  	v12 =	vnsel vm5, $0xBF800000, v59;
	v41 =	vsub.f32 $0.0e+00, v37;
	v40 =	vld [tilespmem:s14+$0x500];
	v4 =	vsub.f32 v17, v4;
	[tilespmem:s5+$0x3700] =	vst v17  }
0x97: {  	v5 =	vadd.f32 v15, v5;
	v6 =	vmul.f32 v55, v21;
	v42 =	vpop (erf);
	v43 =	vld [tilespmem:s14+$0x1E00];
	v14 =	vsub.f32 $0.0e+00, v38  }
0x98: {  	v13 =	vadd.f32 v41, v13;
	v4 =	vmul.f32 v4, v7;
	v7 =	vld [tilespmem:s14+$0x2300];
	v44 =	vpop (erf);
	v11 =	vmul.f32 v55, v42  }
0x99: {  	v6 =	vadd.f32 v6, v57;
	v45 =	vld [tilespmem:s14+$0x1400];
	v8 =	vadd.f32 v14, v8;
	v14 =	vmul.f32 v56, v44  }
0x9a: {  	v10 =	vadd.f32 v13, v10;
	v19 =	vmul.f32 $1.000000010e-01, v36;
	v18 =	vmul.f32 v11, v3  }
0x9b: {  	v47 =	vld [tilespmem:s14+$0x1900];
	v46 =	vmul.f32 $1.000000010e-01, v40;
	v9 =	vadd.f32 v8, v9;
	v48 =	vmul.f32 v14, v3  }
0x9c: {  	[tilespmem:s14+$0x4100] =	vst v12;
	v50 =	vsub.f32 v10, v13;
	v49 =	vmul.f32 v43, v19;
	v53 =	vsub.f32 $0.0e+00, v18;
	v52 =	vpop (erf)  }
0x9d: {  	[tilespmem:s5+$0x3C00] =	vst v4;
	v4 =	vmul.f32 v7, v46;
	v51 =	vsub.f32 v9, v8;
	v54 =	vsub.f32 $0.0e+00, v48;
	v55 =	vpop (erf)  }
0x9e: {  	[tilespmem:s9+$0x2800] =	vst v13;
	v12 =	vadd.f32 v49, v45;
	v56 =	vmul.f32 v43, v52;
	v7 =	vmul.f32 v7, v55  }
0x9f: {  	[tilespmem:s9+$0x3200] =	vst v10;
	v6 =	vadd.f32 v53, v6;
	v57 =	vmul.f32 v51, v50;
	v5 =	vadd.f32 v54, v5  }
0xa0: {  	[tilespmem:s9+$0x2D00] =	vst v8;
	v4 =	vadd.f32 v4, v47;
	v58 =	vmul.f32 v56, v3;
	v59 =	vmul.f32 v7, v3  }
0xa1: {  	[tilespmem:s9+$0x3700] =	vst v9;
	v60 =	vadd.f32 v6, v11;
	v61 =	vadd.f32 v5, v14  }
0xa2: {  	[tilespmem:s9+$0x3C00] =	vst v57;
	v62 =	vsub.f32 $0.0e+00, v58;
	v63 =	vsub.f32 $0.0e+00, v59  }
0xa3: {  	[tilespmem:s12+$0x2800] =	vst v6;
	v6 =	vsub.f32 v60, v6;
	v14 =	vsub.f32 v61, v5  }
0xa4: {  	[tilespmem:s12+$0x2D00] =	vst v5;
	v5 =	vadd.f32 v62, v12;
	v4 =	vadd.f32 v63, v4  }
0xa5: {  	[tilespmem:s12+$0x3200] =	vst v60;
	v6 =	vmul.f32 v14, v6  }
0xa6: {  	[tilespmem:s12+$0x3700] =	vst v61;
	v8 =	vadd.f32 v5, v56;
	v7 =	vadd.f32 v4, v7  }
0xa7: {  	[tilespmem:s12+$0x3C00] =	vst v6  }
0xa8: {  	[tilespmem:s14+$0x2800] =	vst v5;
	v5 =	vsub.f32 v8, v5;
	v6 =	vsub.f32 v7, v4  }
0xa9: {  	[tilespmem:s14+$0x2D00] =	vst v4  }
0xaa: {  	[tilespmem:s14+$0x3200] =	vst v8;
	v4 =	vmul.f32 v6, v5  }
0xab: {  	[tilespmem:s14+$0x3700] =	vst v7  }
0xac: {  	v5 =	vimm.f32 $0.0e+00;
	[tilespmem:s14+$0x3C00] =	vst v4;
	v4 =	vimm.f32 $1.000000000e+00  }
.LBB2_6:
0xad: {  	v6 =	vsub.f32 v4, v5;
	_ =	sdelay $0x1  }
0xae: {  	v6 =	vmul.f32 $5.000000000e-01, v6  }
0xaf: {  	s6 =	simm.s32 $0x0  }
0xb0: {  	v7 =	vimm.s32 $0x0;
	s5 =	simm.s32 $0x40;
	v8 =	vld [tilespmem:s6+$0x4100];
	v6 =	vadd.f32 v6, v5  }
.LBB2_7:
0xb1: {  	_ =	sdelay $0x1  }
0xb2: {  	p0 =	sne.s32 s5, $0x13C0  }
.Ltmp4:
0xb3: {  	_ = 	snop;
	(pc) =	sbr.rel @p0 .LBB2_7-.Ltmp4, $4  }
0xb4: {  	vm5 =	vgt.f32 v8, v6  }
0xb5: {  	v9 =	vmpcnt.ones.xlane vm5  }
0xb6: {  	s6 =	sshra.s32 s5, $0x2  }
0xb7: {  	s5 =	sadd.s32 $0x40, s5;
	v8 =	vld [tilespmem:s6+$0x4100];
	v7 =	vadd.s32 v7, v9  }
0xb8: {  	_ =	sdelay $0x3  }
0xb9: {  	vm5 =	vgt.f32 v8, v6  }
0xba: {  	v8 =	vmpcnt.ones.xlane vm5  }
0xbb: {  	s5 =	sshll.u32 s30, $0x4  }
0xbc: {  	s5 =	sand.u32 $0x10, s5;
	v7 =	vadd.s32 v7, v8  }
0xbd: {  	s6 =	sor.u32 s1, s5;
	v7 =	vcvt.s32.f32 v7  }
0xbe: {  	s6 =	sshll.u32 s6, $0x7  }
0xbf: {  	s6 =	sadd.s32 s6, s2;
	[tilespmem:$0x5600] =	vst v7  }
0xc0: {  	[spmem:s6] =	stream.linear.scatter [tilespmem:s0], [sflag:$0x1], $0x80, $0x38;
	[tilespmem:$0x1D6C0] =	vst v63  }
0xc1: {  	_ =	swait.ge [sflag:s21], $0x80  }
0xc2: {  	[sflag:s21] =	ssyncset.done $0x0  }
0xc3: {  	s5 =	sshll.u32 s5, $0x7;
	[sflag:s21] =	ssyncadd.s32 $0xFFFFFF80  }
0xc4: {  	s5 =	sadd.s32 s5, s2;
	[bflag:$0x0] =	sbarrier.arrive $0xFFFF  }
0xc5: {  	[tilespmem:s3], [sflag:$0x1] =	stream.linear.gather [spmem:s5], $0x800, $0x38;
	[tilespmem:$0x1D6C0] =	vst v63  }
0xc6: {  	_ =	swait.ge [sflag:s21], $0x800  }
0xc7: {  	[sflag:s21] =	ssyncset.done $0x0  }
0xc8: {  	[sflag:s21] =	ssyncadd.s32 $0xFFFFF800  }
0xc9: {  	v7 =	vld [tilespmem:$0x4E00];
	_ =	sdelay $0x1  }
0xca: {  	v51 =	vld [tilespmem:$0x4E80];
	_ =	sdelay $0x1  }
0xcb: {  	v9 =	vld [tilespmem:$0x4F00]  }
0xcc: {  	v7 =	vadd.f32 $0.0e+00, v7  }
0xcd: {  	v10 =	vld [tilespmem:$0x4F80]  }
0xce: {  	v7 =	vadd.f32 v51, v7  }
0xcf: {  	v52 =	vld [tilespmem:$0x5000]  }
0xd0: {  	v7 =	vadd.f32 v9, v7  }
0xd1: {  	v53 =	vld [tilespmem:$0x5080]  }
0xd2: {  	v7 =	vadd.f32 v10, v7  }
0xd3: {  	v54 =	vld [tilespmem:$0x5100]  }
0xd4: {  	v7 =	vadd.f32 v52, v7  }
0xd5: {  	v55 =	vld [tilespmem:$0x5180]  }
0xd6: {  	v7 =	vadd.f32 v53, v7  }
0xd7: {  	v56 =	vld [tilespmem:$0x5200]  }
0xd8: {  	v7 =	vadd.f32 v54, v7  }
0xd9: {  	v57 =	vld [tilespmem:$0x5280]  }
0xda: {  	v7 =	vadd.f32 v55, v7  }
0xdb: {  	v58 =	vld [tilespmem:$0x5300]  }
0xdc: {  	v7 =	vadd.f32 v56, v7  }
0xdd: {  	v59 =	vld [tilespmem:$0x5380]  }
0xde: {  	v7 =	vadd.f32 v57, v7  }
0xdf: {  	v60 =	vld [tilespmem:$0x5400]  }
0xe0: {  	v7 =	vadd.f32 v58, v7  }
0xe1: {  	v61 =	vld [tilespmem:$0x5480]  }
0xe2: {  	v7 =	vadd.f32 v59, v7  }
0xe3: {  	v62 =	vld [tilespmem:$0x5500]  }
0xe4: {  	v7 =	vadd.f32 v60, v7  }
0xe5: {  	v63 =	vld [tilespmem:$0x5580]  }
0xe6: {  	v7 =	vadd.f32 v61, v7  }
0xe7: {  	s30 =	sadd.s32 $0x1, s30  }
0xe8: {  	p0 =	sne.s32 s30, $0x30;
	v7 =	vadd.f32 v62, v7  }
.Ltmp5:
0xe9: {  	_ = 	snop;
	(pc) =	sbr.rel @p0 .LBB2_6-.Ltmp5, $3  }
0xea: {  	v7 =	vadd.f32 v63, v7;
	_ =	sdelay $0x1  }
0xeb: {  	vm5 =	vlt.f32 v7, $5.000000000e+03  }
0xec: {  	v5 =	vsel vm5, v5, v6;
	v4 =	vsel vm5, v6, v4  }
0xed: {  	s6 =	simm.s32 $0x0  }
0xee: {  	v5 =	vimm.s32 $0x0;
	s5 =	simm.s32 $0x40;
	v6 =	vld [tilespmem:s6+$0x4100]  }
.LBB2_10:
0xef: {  	_ =	sdelay $0x1  }
0xf0: {  	p0 =	sne.s32 s5, $0x13C0  }
.Ltmp6:
0xf1: {  	_ = 	snop;
	(pc) =	sbr.rel @p0 .LBB2_10-.Ltmp6, $4  }
0xf2: {  	vm5 =	vgt.f32 v6, v4  }
0xf3: {  	v7 =	vmpcnt.ones.xlane vm5  }
0xf4: {  	s6 =	sshra.s32 s5, $0x2  }
0xf5: {  	s5 =	sadd.s32 $0x40, s5;
	v6 =	vld [tilespmem:s6+$0x4100];
	v5 =	vadd.s32 v5, v7  }
0xf6: {  	_ =	sdelay $0x3  }
0xf7: {  	vm5 =	vgt.f32 v6, v4  }
0xf8: {  	v6 =	vmpcnt.ones.xlane vm5;
	_ =	sdelay $0x1  }
0xf9: {  	v5 =	vadd.s32 v5, v6  }
0xfa: {  	v5 =	vcvt.s32.f32 v5;
	_ =	sdelay $0x1  }
0xfb: {  	[tilespmem:$0x5600] =	vst v5  }
0xfc: {  	[spmem:s15] =	stream.linear.scatter [tilespmem:s0], [sflag:$0x1], $0x80, $0x38;
	[tilespmem:$0x1D6C0] =	vst v63  }
0xfd: {  	_ =	swait.ge [sflag:s21], $0x80  }
0xfe: {  	[sflag:s21] =	ssyncset.done $0x0  }
0xff: {  	[sflag:s21] =	ssyncadd.s32 $0xFFFFFF80  }
0x100: {  	[bflag:$0x0] =	sbarrier.arrive $0xFFFF  }
0x101: {  	[tilespmem:s3], [sflag:$0x1] =	stream.linear.gather [spmem:s13], $0x800, $0x38;
	[tilespmem:$0x1D6C0] =	vst v63  }
0x102: {  	_ =	swait.ge [sflag:s21], $0x800  }
0x103: {  	[sflag:s21] =	ssyncset.done $0x0  }
0x104: {  	[sflag:s21] =	ssyncadd.s32 $0xFFFFF800  }
0x105: {  	v5 =	vld [tilespmem:$0x4E00];
	_ =	sdelay $0x1  }
0x106: {  	v6 =	vld [tilespmem:$0x4E80];
	_ =	sdelay $0x1  }
0x107: {  	v7 =	vld [tilespmem:$0x4F00]  }
0x108: {  	v5 =	vadd.f32 $0.0e+00, v5  }
0x109: {  	v8 =	vld [tilespmem:$0x4F80]  }
0x10a: {  	v5 =	vadd.f32 v6, v5  }
0x10b: {  	v6 =	vld [tilespmem:$0x5000]  }
0x10c: {  	v5 =	vadd.f32 v7, v5  }
0x10d: {  	v7 =	vld [tilespmem:$0x5080]  }
0x10e: {  	v5 =	vadd.f32 v8, v5  }
0x10f: {  	v8 =	vld [tilespmem:$0x5100]  }
0x110: {  	v5 =	vadd.f32 v6, v5  }
0x111: {  	v6 =	vld [tilespmem:$0x5180]  }
0x112: {  	v5 =	vadd.f32 v7, v5  }
0x113: {  	v7 =	vld [tilespmem:$0x5200]  }
0x114: {  	v5 =	vadd.f32 v8, v5  }
0x115: {  	v8 =	vld [tilespmem:$0x5280]  }
0x116: {  	v5 =	vadd.f32 v6, v5  }
0x117: {  	v6 =	vld [tilespmem:$0x5300]  }
0x118: {  	v5 =	vadd.f32 v7, v5  }
0x119: {  	v7 =	vld [tilespmem:$0x5380]  }
0x11a: {  	v5 =	vadd.f32 v8, v5  }
0x11b: {  	v8 =	vld [tilespmem:$0x5400]  }
0x11c: {  	v5 =	vadd.f32 v6, v5  }
0x11d: {  	v6 =	vld [tilespmem:$0x5480]  }
0x11e: {  	v5 =	vadd.f32 v7, v5  }
0x11f: {  	v7 =	vld [tilespmem:$0x5500]  }
0x120: {  	v5 =	vadd.f32 v8, v5  }
0x121: {  	v8 =	vld [tilespmem:$0x5580]  }
0x122: {  	v5 =	vadd.f32 v6, v5;
	_ =	sdelay $0x1  }
0x123: {  	v5 =	vadd.f32 v7, v5;
	_ =	sdelay $0x1  }
0x124: {  	v5 =	vadd.f32 v8, v5;
	_ =	sdelay $0x1  }
0x125: {  	s5 =	simm.s32 $0x0;
	v7 =	vimm.s32 $0x0;
	v6 =	vsub.f32 $5.000000000e+03, v5;
	v5 =	vimm.s32 $0x5000  }
.LBB2_12:
0x126: {  	v8 =	vsub.s32 v5, v7;
	vm5 =	vne.s32 v5, v7  }
0x127: {  	v9 =	vshra.s32 v8, $0x1F;
	v10 =	vsel vm5, $0x1, v1  }
0x128: {  	s7 =	simm.s32 $0x0;
	v9 =	vor.u32 v10, v9;
	v10 =	vand.u32 $0x1, v8  }
0x129: {  	v11 =	vshrl.u32 v8, $0x1F;
	vm6 =	veq.s32 v10, $0x1;
	v10 =	vld [tilespmem:s7+$0x4100]  }
0x12a: {  	v8 =	vadd.s32 v11, v8;
	vm5 =	vne.s32 v9, $0x1  }
0x12b: {  	v8 =	vshra.s32 v8, $0x1;
	vm5 =	vmand vm5, vm6  }
0x12c: {  	v8 =	vadd.s32 v7, v8;
	v9 =	vsel vm5, $0xFFFFFFFF, v1  }
0x12d: {  	s6 =	simm.s32 $0x40;
	v11 =	vor.u32 s4, v2;
	s7 =	smov.u32 s4;
	v8 =	vadd.s32 v9, v8;
	v9 =	vimm.s32 $0x0  }
.LBB2_13:
0x12e: {  	s8 =	sshra.s32 s6, $0x2;
	p0 =	sne.s32 s6, $0x13C0;
	s6 =	sadd.s32 $0x40, s6;
	vm5 =	veq.f32 v10, v4;
	vm6 =	vge.s32 v11, v8  }
.Ltmp7:
0x12f: {  	v10 =	vld [tilespmem:s8+$0x4100];
	vm5 =	vmand vm6, vm5;
	(pc) =	sbr.rel @p0 .LBB2_13-.Ltmp7, $3  }
0x130: {  	v11 =	vmpcnt.ones.xlane vm5;
	_ =	sdelay $0x1  }
0x131: {  	s7 =	sadd.s32 $0x10, s7;
	v9 =	vadd.s32 v9, v11  }
0x132: {  	v11 =	vor.u32 s7, v2  }
0x133: {  	vm5 =	veq.f32 v10, v4;
	vm6 =	vge.s32 v11, v8  }
0x134: {  	vm5 =	vmand vm6, vm5  }
0x135: {  	v47 =	vmpcnt.ones.xlane vm5  }
0x136: {  	s6 =	sshll.u32 s5, $0x4  }
0x137: {  	s6 =	sand.u32 $0x10, s6;
	v9 =	vadd.s32 v9, v47  }
0x138: {  	s7 =	sor.u32 s1, s6;
	v9 =	vcvt.s32.f32 v9  }
0x139: {  	s7 =	sshll.u32 s7, $0x7  }
0x13a: {  	s7 =	sadd.s32 s7, s2;
	[tilespmem:$0x5600] =	vst v9  }
0x13b: {  	[spmem:s7] =	stream.linear.scatter [tilespmem:s0], [sflag:$0x1], $0x80, $0x38;
	[tilespmem:$0x1D6C0] =	vst v63  }
0x13c: {  	_ =	swait.ge [sflag:s21], $0x80  }
0x13d: {  	[sflag:s21] =	ssyncset.done $0x0  }
0x13e: {  	s6 =	sshll.u32 s6, $0x7;
	[sflag:s21] =	ssyncadd.s32 $0xFFFFFF80  }
0x13f: {  	s6 =	sadd.s32 s6, s2;
	[bflag:$0x0] =	sbarrier.arrive $0xFFFF  }
0x140: {  	[tilespmem:s3], [sflag:$0x1] =	stream.linear.gather [spmem:s6], $0x800, $0x38;
	[tilespmem:$0x1D6C0] =	vst v63  }
0x141: {  	_ =	swait.ge [sflag:s21], $0x800  }
0x142: {  	[sflag:s21] =	ssyncset.done $0x0  }
0x143: {  	[sflag:s21] =	ssyncadd.s32 $0xFFFFF800  }
0x144: {  	v48 =	vld [tilespmem:$0x4E00];
	_ =	sdelay $0x1  }
0x145: {  	v49 =	vld [tilespmem:$0x4E80];
	_ =	sdelay $0x1  }
0x146: {  	v50 =	vld [tilespmem:$0x4F00]  }
0x147: {  	v9 =	vadd.f32 $0.0e+00, v48  }
0x148: {  	v12 =	vld [tilespmem:$0x4F80]  }
0x149: {  	v9 =	vadd.f32 v49, v9  }
0x14a: {  	v51 =	vld [tilespmem:$0x5000]  }
0x14b: {  	v9 =	vadd.f32 v50, v9  }
0x14c: {  	v52 =	vld [tilespmem:$0x5080]  }
0x14d: {  	v9 =	vadd.f32 v12, v9  }
0x14e: {  	v53 =	vld [tilespmem:$0x5100]  }
0x14f: {  	v9 =	vadd.f32 v51, v9  }
0x150: {  	v54 =	vld [tilespmem:$0x5180]  }
0x151: {  	v9 =	vadd.f32 v52, v9  }
0x152: {  	v55 =	vld [tilespmem:$0x5200]  }
0x153: {  	v9 =	vadd.f32 v53, v9  }
0x154: {  	v56 =	vld [tilespmem:$0x5280]  }
0x155: {  	v9 =	vadd.f32 v54, v9  }
0x156: {  	v57 =	vld [tilespmem:$0x5300]  }
0x157: {  	v9 =	vadd.f32 v55, v9  }
0x158: {  	v58 =	vld [tilespmem:$0x5380]  }
0x159: {  	v9 =	vadd.f32 v56, v9  }
0x15a: {  	v59 =	vld [tilespmem:$0x5400]  }
0x15b: {  	v9 =	vadd.f32 v57, v9  }
0x15c: {  	v60 =	vld [tilespmem:$0x5480]  }
0x15d: {  	v9 =	vadd.f32 v58, v9  }
0x15e: {  	v61 =	vld [tilespmem:$0x5500]  }
0x15f: {  	v9 =	vadd.f32 v59, v9  }
0x160: {  	v62 =	vld [tilespmem:$0x5580]  }
0x161: {  	v9 =	vadd.f32 v60, v9  }
0x162: {  	s5 =	sadd.s32 $0x1, s5  }
0x163: {  	p0 =	sne.s32 s5, $0x10;
	v9 =	vadd.f32 v61, v9  }
.Ltmp8:
0x164: {  	_ = 	snop;
	(pc) =	sbr.rel @p0 .LBB2_12-.Ltmp8, $3  }
0x165: {  	v9 =	vadd.f32 v62, v9;
	_ =	sdelay $0x1  }
0x166: {  	v63 =	vadd.s32 $0x1, v8;
	vm5 =	vle.f32 v9, v6  }
0x167: {  	s30 =	simm.s32 $0x0;
	v7 =	vsel vm5, v7, v63;
	v5 =	vsel vm5, v8, v5  }
0x168: {  	s6 =	sshra.s32 s30, $0x2  }
0x169: {  	v6 =	vld [tilespmem:s6+$0x4100];
	_ =	sdelay $0x3  }
0x16a: {  	v7 =	vor.u32 s4, v2  }
0x16b: {  	vm6 =	vge.s32 v7, v5;
	vm5 =	veq.f32 v6, v4  }
0x16c: {  	vm7 =	vgt.f32 v6, v4;
	vm5 =	vmand vm6, vm5  }
0x16d: {  	vm5 =	vmor vm7, vm5  }
0x16e: {  	s7 =	sadd.s32 $0x40, s30;
	v6 =	vnsel vm5, $0xBF800000, v6  }
0x16f: {  	s5 =	sshra.s32 s7, $0x2;
	s7 =	sadd.s32 $0x40, s7;
	[tilespmem:s6+$0x4100] =	vst v6;
	s6 =	smov.u32 s4  }
.LBB2_16:
0x170: {  	p0 =	sne.s32 s7, $0x13C0;
	v6 =	vld [tilespmem:s5+$0x4100];
	_ =	sdelay $0x2  }
0x171: {  	s6 =	sadd.s32 $0x10, s6  }
0x172: {  	v7 =	vor.u32 s6, v2  }
.Ltmp9:
0x173: {  	vm6 =	vge.s32 v7, v5;
	vm5 =	veq.f32 v6, v4;
	(pc) =	sbr.rel @p0 .LBB2_16-.Ltmp9, $4  }
0x174: {  	vm7 =	vgt.f32 v6, v4;
	vm5 =	vmand vm6, vm5  }
0x175: {  	vm5 =	vmor vm7, vm5  }
0x176: {  	v6 =	vnsel vm5, $0xBF800000, v6  }
0x177: {  	[tilespmem:s5+$0x4100] =	vst v6;
	s5 =	sshra.s32 s7, $0x2;
	s7 =	sadd.s32 $0x40, s7  }
0x178: {  	v6 =	vld [tilespmem:s5+$0x4100];
	_ =	sdelay $0x2  }
0x179: {  	s6 =	sadd.s32 $0x10, s6  }
0x17a: {  	v7 =	vor.u32 s6, v2  }
0x17b: {  	vm6 =	vge.s32 v7, v5;
	vm5 =	veq.f32 v6, v4  }
0x17c: {  	vm7 =	vgt.f32 v6, v4;
	vm5 =	vmand vm6, vm5  }
0x17d: {  	vm5 =	vmor vm7, vm5  }
0x17e: {  	v4 =	vnsel vm5, $0xBF800000, v6  }
0x17f: {  	[tilespmem:s5+$0x4100] =	vst v4  }
.LBB2_18:
0x180: {  	s5 =	simm.s32 $0x4100  }
0x181: {  	v4 =	vld [tilespmem:s5+$0x0];
	_ =	sdelay $0x3  }
0x182: {  	v5 =	vimm.f32 $-2.000000000e+00;
	s6 =	simm.s32 $0x0  }
0x183: {  	v6 =	vimm.s32 $0x0;
	s5 =	simm.s32 $0x10;
	v7 =	vor.u32 s6, v2;
	s6 =	simm.s32 $0x4110;
	vm5 =	vge.f32 v4, v5  }
.LBB2_19:
0x184: {  	p0 =	sne.s32 s5, $0x4F0;
	v5 =	vsel vm5, v4, v5;
	v4 =	vld [tilespmem:s6+$0x0];
	v6 =	vsel vm5, v7, v6;
	s7 =	smov.u32 s5;
	s5 =	sadd.s32 $0x10, s5  }
.Ltmp10:
0x185: {  	(pc) =	sbr.rel @p0 .LBB2_19-.Ltmp10, $2  }
0x186: {  	_ =	sdelay $0x2  }
0x187: {  	s6 =	sadd.s32 $0x10, s6;
	v7 =	vor.u32 s7, v2;
	vm5 =	vge.f32 v4, v5  }
0x188: {  	v5 =	vsel vm5, v4, v5  }
0x189: {  	(v2sf) =	vpush v5, $0x0;
	_ =	sdelay $0x1  }
0x18a: {  	v4 =	vsel vm5, v7, v6  }
0x18b: {  	(v2sf) =	vpush v4, $0x0;
	_ =	sdelay $0x2  }
0x18c: {  	(v2sf) =	vpush v5, $0x1;
	_ =	sdelay $0x2  }
0x18d: {  	(v2sf) =	vpush v4, $0x1;
	_ =	sdelay $0x4  }
0x18e: {  	(v2sf) =	vpush v5, $0x2  }
0x18f: {  	s5 =	spop (v2sf);
	(v2sf) =	vpush v4, $0x2;
	_ =	sdelay $0x2  }
0x190: {  	s6 =	spop (v2sf);
	p0 =	seq.f32 s5, $-2.000000000e+00  }
0x191: {  	p1 =	sgt.s32 s6, $0x0  }
0x192: {  	p2 =	sgt.f32 s5, $-2.000000000e+00;
	(v2sf) =	vpush v5, $0x3;
	p0 =	por !p0, !p1  }
0x193: {  	s7 =	spop (v2sf);
	(v2sf) =	vpush v4, $0x3;
	p0 =	por !p0, !p0  }
0x194: {  	p0 =	por p2, p0  }
0x195: {  	s5 =	simm.s32 @!p0 $0xC0000000  }
0x196: {  	s8 =	spop (v2sf);
	s6 =	simm.s32 @!p0 $0x0;
	p4 =	seq.f32 s7, s5  }
0x197: {  	p5 =	sgt.s32 s8, s6  }
0x198: {  	(v2sf) =	vpush v5, $0x4;
	p6 =	sgt.f32 s7, s5;
	p0 =	por !p4, !p5  }
0x199: {  	p0 =	por !p0, !p0  }
0x19a: {  	p0 =	por p6, p0  }
0x19b: {  	s5 =	smov.u32 @p0 s7;
	s7 =	spop (v2sf);
	(v2sf) =	vpush v4, $0x4  }
0x19c: {  	s6 =	smov.u32 @p0 s8;
	p1 =	seq.f32 s7, s5;
	s8 =	spop (v2sf)  }
0x19d: {  	p2 =	sgt.s32 s8, s6  }
0x19e: {  	p3 =	sgt.f32 s7, s5;
	p0 =	por !p1, !p2  }
0x19f: {  	p0 =	por !p0, !p0  }
0x1a0: {  	(v2sf) =	vpush v5, $0x5;
	p0 =	por p3, p0  }
0x1a1: {  	s5 =	smov.u32 @p0 s7;
	s7 =	spop (v2sf);
	(v2sf) =	vpush v4, $0x5  }
0x1a2: {  	s6 =	smov.u32 @p0 s8;
	s8 =	spop (v2sf);
	p4 =	seq.f32 s7, s5  }
0x1a3: {  	p5 =	sgt.s32 s8, s6  }
0x1a4: {  	p6 =	sgt.f32 s7, s5;
	p0 =	por !p4, !p5  }
0x1a5: {  	p0 =	por !p0, !p0  }
0x1a6: {  	(v2sf) =	vpush v5, $0x6;
	p0 =	por p6, p0  }
0x1a7: {  	s5 =	smov.u32 @p0 s7;
	s7 =	spop (v2sf);
	(v2sf) =	vpush v4, $0x6;
	_ =	sdelay $0x2  }
0x1a8: {  	s6 =	smov.u32 @p0 s8;
	s8 =	spop (v2sf);
	p1 =	seq.f32 s7, s5  }
0x1a9: {  	p2 =	sgt.s32 s8, s6  }
0x1aa: {  	p3 =	sgt.f32 s7, s5;
	(v2sf) =	vpush v5, $0x7;
	p0 =	por !p1, !p2  }
0x1ab: {  	p0 =	por !p0, !p0  }
0x1ac: {  	p0 =	por p3, p0  }
0x1ad: {  	s5 =	smov.u32 @p0 s7;
	s7 =	spop (v2sf);
	(v2sf) =	vpush v4, $0x7  }
0x1ae: {  	s6 =	smov.u32 @p0 s8;
	p4 =	seq.f32 s7, s5;
	s8 =	spop (v2sf)  }
0x1af: {  	p5 =	sgt.s32 s8, s6  }
0x1b0: {  	p6 =	sgt.f32 s7, s5;
	p0 =	por !p4, !p5  }
0x1b1: {  	p0 =	por !p0, !p0  }
0x1b2: {  	(v2sf) =	vpush v5, $0x8;
	p0 =	por p6, p0  }
0x1b3: {  	s5 =	smov.u32 @p0 s7;
	s7 =	spop (v2sf);
	(v2sf) =	vpush v4, $0x8  }
0x1b4: {  	s6 =	smov.u32 @p0 s8;
	s8 =	spop (v2sf);
	p1 =	seq.f32 s7, s5  }
0x1b5: {  	p2 =	sgt.s32 s8, s6  }
0x1b6: {  	p3 =	sgt.f32 s7, s5;
	p0 =	por !p1, !p2  }
0x1b7: {  	p0 =	por !p0, !p0  }
0x1b8: {  	(v2sf) =	vpush v5, $0x9;
	p0 =	por p3, p0  }
0x1b9: {  	s5 =	smov.u32 @p0 s7;
	s7 =	spop (v2sf);
	(v2sf) =	vpush v4, $0x9;
	_ =	sdelay $0x2  }
0x1ba: {  	s6 =	smov.u32 @p0 s8;
	s8 =	spop (v2sf);
	p4 =	seq.f32 s7, s5  }
0x1bb: {  	p5 =	sgt.s32 s8, s6  }
0x1bc: {  	p6 =	sgt.f32 s7, s5;
	(v2sf) =	vpush v5, $0xA;
	p0 =	por !p4, !p5  }
0x1bd: {  	p0 =	por !p0, !p0  }
0x1be: {  	p0 =	por p6, p0  }
0x1bf: {  	s5 =	smov.u32 @p0 s7;
	s7 =	spop (v2sf);
	(v2sf) =	vpush v4, $0xA  }
0x1c0: {  	s6 =	smov.u32 @p0 s8;
	p1 =	seq.f32 s7, s5;
	s8 =	spop (v2sf)  }
0x1c1: {  	p2 =	sgt.s32 s8, s6  }
0x1c2: {  	p3 =	sgt.f32 s7, s5;
	p0 =	por !p1, !p2  }
0x1c3: {  	p0 =	por !p0, !p0  }
0x1c4: {  	(v2sf) =	vpush v5, $0xB;
	p0 =	por p3, p0  }
0x1c5: {  	s5 =	smov.u32 @p0 s7;
	s7 =	spop (v2sf);
	(v2sf) =	vpush v4, $0xB  }
0x1c6: {  	s6 =	smov.u32 @p0 s8;
	s8 =	spop (v2sf);
	p4 =	seq.f32 s7, s5  }
0x1c7: {  	p5 =	sgt.s32 s8, s6  }
0x1c8: {  	p6 =	sgt.f32 s7, s5;
	p0 =	por !p4, !p5  }
0x1c9: {  	p0 =	por !p0, !p0  }
0x1ca: {  	(v2sf) =	vpush v5, $0xC;
	p0 =	por p6, p0  }
0x1cb: {  	s5 =	smov.u32 @p0 s7;
	s7 =	spop (v2sf);
	(v2sf) =	vpush v4, $0xC;
	_ =	sdelay $0x2  }
0x1cc: {  	s6 =	smov.u32 @p0 s8;
	s8 =	spop (v2sf);
	p1 =	seq.f32 s7, s5  }
0x1cd: {  	p2 =	sgt.s32 s8, s6  }
0x1ce: {  	p3 =	sgt.f32 s7, s5;
	(v2sf) =	vpush v5, $0xD;
	p0 =	por !p1, !p2  }
0x1cf: {  	p0 =	por !p0, !p0  }
0x1d0: {  	p0 =	por p3, p0  }
0x1d1: {  	s5 =	smov.u32 @p0 s7;
	s7 =	spop (v2sf);
	(v2sf) =	vpush v4, $0xD  }
0x1d2: {  	s6 =	smov.u32 @p0 s8;
	p4 =	seq.f32 s7, s5;
	s8 =	spop (v2sf)  }
0x1d3: {  	p5 =	sgt.s32 s8, s6  }
0x1d4: {  	p6 =	sgt.f32 s7, s5;
	p0 =	por !p4, !p5  }
0x1d5: {  	p0 =	por !p0, !p0  }
0x1d6: {  	(v2sf) =	vpush v5, $0xE;
	p0 =	por p6, p0  }
0x1d7: {  	s5 =	smov.u32 @p0 s7;
	s7 =	spop (v2sf);
	(v2sf) =	vpush v4, $0xE  }
0x1d8: {  	s6 =	smov.u32 @p0 s8;
	s8 =	spop (v2sf);
	p1 =	seq.f32 s7, s5  }
0x1d9: {  	p2 =	sgt.s32 s8, s6  }
0x1da: {  	p3 =	sgt.f32 s7, s5;
	p0 =	por !p1, !p2  }
0x1db: {  	p0 =	por !p0, !p0  }
0x1dc: {  	(v2sf) =	vpush v5, $0xF;
	p0 =	por p3, p0  }
0x1dd: {  	s5 =	smov.u32 @p0 s7;
	s7 =	spop (v2sf);
	(v2sf) =	vpush v4, $0xF;
	_ =	sdelay $0x2  }
0x1de: {  	s6 =	smov.u32 @p0 s8;
	s8 =	spop (v2sf);
	p4 =	seq.f32 s7, s5  }
0x1df: {  	p5 =	sgt.s32 s8, s6  }
0x1e0: {  	p6 =	sgt.f32 s7, s5;
	p0 =	por !p4, !p5  }
0x1e1: {  	p0 =	por !p0, !p0  }
0x1e2: {  	p0 =	por p6, p0  }
0x1e3: {  	s5 =	smov.u32 @p0 s7;
	s7 =	spop (v2sf)  }
0x1e4: {  	s6 =	smov.u32 @p0 s8;
	p1 =	seq.f32 s7, s5;
	s8 =	spop (v2sf)  }
0x1e5: {  	p2 =	sgt.s32 s8, s6  }
0x1e6: {  	p3 =	sgt.f32 s7, s5;
	p0 =	por !p1, !p2  }
0x1e7: {  	p0 =	por !p0, !p0  }
0x1e8: {  	p0 =	por p3, p0  }
0x1e9: {  	s5 =	smov.u32 @p0 s7;
	s7 =	spop (v2sf)  }
0x1ea: {  	s6 =	smov.u32 @p0 s8;
	s8 =	spop (v2sf);
	p4 =	seq.f32 s7, s5  }
0x1eb: {  	p5 =	sgt.s32 s8, s6  }
0x1ec: {  	p6 =	sgt.f32 s7, s5;
	p0 =	por !p4, !p5  }
0x1ed: {  	p0 =	por !p0, !p0  }
0x1ee: {  	p0 =	por p6, p0  }
0x1ef: {  	s6 =	smov.u32 @p0 s8  }
0x1f0: {  	v4 =	vmov s6;
	_ =	sdelay $0x4  }
0x1f1: {  	v5 =	vld.idx.msk [tilespmem:v4+s26+$0x0], $0xffff  }
0x1f2: {  	v62 =	vld.idx.msk [tilespmem:v4+s25+$0x0], $0xffff  }
0x1f3: {  	v63 =	vld.idx.msk [tilespmem:v4+s24+$0x0], $0xffff  }
0x1f4: {  	v8 =	vld.idx.msk [tilespmem:v4+s23+$0x0], $0xffff  }
0x1f5: {  	v4 =	vld.idx.msk [tilespmem:v4+s22+$0x0], $0xffff  }
0x1f6: {  	v5 =	vsel vm0, $0x0, v5  }
0x1f7: {  	s11 =	sshll.u32 s30, $0x4;
	v5 =	vsel vm1, v5, v62  }
0x1f8: {  	s6 =	sand.u32 $0x10, s11;
	v5 =	vsel vm2, v5, v63  }
0x1f9: {  	s6 =	sor.u32 $0x20, s6;
	v5 =	vsel vm3, v5, v8  }
0x1fa: {  	vm5 =	veq.s32 v2, $0x0;
	s5 =	smov.u32 @p0 s7;
	s12 =	sor.u32 s1, s6;
	v4 =	vsel vm4, v5, v4  }
0x1fb: {  	s14 =	sshll.u32 s12, $0x7;
	v4 =	vsel vm5, s5, v4  }
0x1fc: {  	s5 =	sadd.s32 s14, s2;
	[tilespmem:$0x5600] =	vst v4  }
0x1fd: {  	[spmem:s5] =	stream.linear.scatter [tilespmem:s0], [sflag:$0x1], $0x80, $0x38;
	[tilespmem:$0x1D6C0] =	vst v63  }
0x1fe: {  	_ =	swait.ge [sflag:s21], $0x80  }
0x1ff: {  	[sflag:s21] =	ssyncset.done $0x0  }
0x200: {  	s31 =	sshll.u32 s6, $0x7;
	[sflag:s21] =	ssyncadd.s32 $0xFFFFFF80  }
0x201: {  	s5 =	sadd.s32 s31, s2;
	[bflag:$0x0] =	sbarrier.arrive $0xFFFF  }
0x202: {  	[tilespmem:s28], [sflag:$0x1] =	stream.linear.gather [spmem:s5], $0x800, $0x38;
	[tilespmem:$0x1D6C0] =	vst v63  }
0x203: {  	_ =	swait.ge [sflag:s21], $0x800  }
0x204: {  	[sflag:s21] =	ssyncset.done $0x0  }
0x205: {  	[sflag:s21] =	ssyncadd.s32 $0xFFFFF800  }
0x206: {  	v4 =	vld [tilespmem:$0x4600];
	_ =	sdelay $0x2  }
0x207: {  	v5 =	vld [tilespmem:$0x4680];
	_ =	sdelay $0x1  }
0x208: {  	(v2sf) =	vpush v4, $0x0  }
0x209: {  	v4 =	vld [tilespmem:$0x4700];
	_ =	sdelay $0x1  }
0x20a: {  	(v2sf) =	vpush v5, $0x0  }
0x20b: {  	v5 =	vld [tilespmem:$0x4780];
	_ =	sdelay $0x1  }
0x20c: {  	(v2sf) =	vpush v4, $0x0  }
0x20d: {  	v4 =	vld [tilespmem:$0x4800];
	_ =	sdelay $0x1  }
0x20e: {  	(v2sf) =	vpush v5, $0x0  }
0x20f: {  	v5 =	vld [tilespmem:$0x4880];
	_ =	sdelay $0x1  }
0x210: {  	(v2sf) =	vpush v4, $0x0  }
0x211: {  	v4 =	vld [tilespmem:$0x4900];
	_ =	sdelay $0x1  }
0x212: {  	s5 =	spop (v2sf);
	(v2sf) =	vpush v5, $0x0  }
0x213: {  	v5 =	vld [tilespmem:$0x4980];
	p0 =	sge.f32 s5, $-2.000000000e+00;
	_ =	sdelay $0x1  }
0x214: {  	s6 =	spop (v2sf);
	(v2sf) =	vpush v4, $0x0;
	s5 =	simm.s32 @!p0 $0xC0000000  }
0x215: {  	v4 =	vld [tilespmem:$0x4A00];
	p0 =	sge.f32 s6, s5;
	_ =	sdelay $0x1  }
0x216: {  	s7 =	simm.s32 @!p0 $0x0;
	s5 =	smov.u32 @p0 s6;
	s6 =	spop (v2sf);
	(v2sf) =	vpush v5, $0x0  }
0x217: {  	v5 =	vld [tilespmem:$0x4A80];
	s7 =	simm.s32 @p0 $0x1;
	p0 =	sge.f32 s6, s5  }
0x218: {  	[smem:$0x7F5] =	sst s7  }
0x219: {  	s7 =	simm.s32 @!p0 $0x0;
	s5 =	smov.u32 @p0 s6;
	s6 =	spop (v2sf);
	(v2sf) =	vpush v4, $0x0  }
0x21a: {  	v4 =	vld [tilespmem:$0x4B00];
	s7 =	simm.s32 @p0 $0x1;
	p0 =	sge.f32 s6, s5  }
0x21b: {  	[smem:$0x7F6] =	sst s7  }
0x21c: {  	s7 =	simm.s32 @!p0 $0x0;
	s5 =	smov.u32 @p0 s6;
	s6 =	spop (v2sf);
	(v2sf) =	vpush v5, $0x0  }
0x21d: {  	v5 =	vld [tilespmem:$0x4B80];
	s7 =	simm.s32 @p0 $0x1;
	p0 =	sge.f32 s6, s5  }
0x21e: {  	[smem:$0x7F7] =	sst s7  }
0x21f: {  	s7 =	simm.s32 @!p0 $0x0;
	s5 =	smov.u32 @p0 s6;
	s6 =	spop (v2sf);
	(v2sf) =	vpush v4, $0x0  }
0x220: {  	v4 =	vld [tilespmem:$0x4C00];
	s7 =	simm.s32 @p0 $0x1;
	p0 =	sge.f32 s6, s5  }
0x221: {  	[smem:$0x7F8] =	sst s7  }
0x222: {  	s7 =	simm.s32 @!p0 $0x0;
	s5 =	smov.u32 @p0 s6;
	s6 =	spop (v2sf);
	(v2sf) =	vpush v5, $0x0  }
0x223: {  	v5 =	vld [tilespmem:$0x4C80];
	s7 =	simm.s32 @p0 $0x1;
	p0 =	sge.f32 s6, s5  }
0x224: {  	[smem:$0x7F9] =	sst s7  }
0x225: {  	s7 =	simm.s32 @!p0 $0x0;
	s5 =	smov.u32 @p0 s6;
	s6 =	spop (v2sf);
	(v2sf) =	vpush v4, $0x0  }
0x226: {  	v4 =	vld [tilespmem:$0x4D00];
	s7 =	simm.s32 @p0 $0x1;
	p0 =	sge.f32 s6, s5  }
0x227: {  	[smem:$0x7FA] =	sst s7  }
0x228: {  	s7 =	simm.s32 @!p0 $0x0;
	s5 =	smov.u32 @p0 s6;
	s6 =	spop (v2sf);
	(v2sf) =	vpush v5, $0x0  }
0x229: {  	v5 =	vld [tilespmem:$0x4D80];
	s7 =	simm.s32 @p0 $0x1;
	p0 =	sge.f32 s6, s5  }
0x22a: {  	[smem:$0x7FB] =	sst s7  }
0x22b: {  	s7 =	simm.s32 @!p0 $0x0;
	s5 =	smov.u32 @p0 s6;
	s6 =	spop (v2sf);
	(v2sf) =	vpush v4, $0x0  }
0x22c: {  	s7 =	simm.s32 @p0 $0x1;
	p0 =	sge.f32 s6, s5;
	_ =	sdelay $0x1  }
0x22d: {  	s5 =	smov.u32 @p0 s6;
	s6 =	spop (v2sf);
	(v2sf) =	vpush v5, $0x0  }
0x22e: {  	[smem:$0x7FC] =	sst s7;
	s7 =	simm.s32 @!p0 $0x0;
	p2 =	sge.f32 s6, s5  }
0x22f: {  	s7 =	simm.s32 @p0 $0x1  }
0x230: {  	[smem:$0x7FD] =	sst s7;
	s7 =	spop (v2sf);
	s5 =	smov.u32 @p2 s6  }
0x231: {  	p3 =	sge.f32 s7, s5;
	_ =	sdelay $0x1  }
0x232: {  	s6 =	spop (v2sf);
	s5 =	smov.u32 @p3 s7  }
0x233: {  	p4 =	sge.f32 s6, s5;
	_ =	sdelay $0x1  }
0x234: {  	s7 =	spop (v2sf);
	s5 =	smov.u32 @p4 s6  }
0x235: {  	p5 =	sge.f32 s7, s5;
	_ =	sdelay $0x1  }
0x236: {  	s6 =	spop (v2sf);
	s5 =	smov.u32 @p5 s7  }
0x237: {  	p6 =	sge.f32 s6, s5;
	_ =	sdelay $0x1  }
0x238: {  	s5 =	smov.u32 @p6 s6;
	s6 =	spop (v2sf)  }
0x239: {  	p0 =	sge.f32 s6, s5;
	_ =	sdelay $0x1  }
0x23a: {  	s5 =	smov.u32 @p0 s6  }
0x23b: {  	p1 =	sgt.f32 s5, $0.0e+00  }
.Ltmp11:
0x23c: {  	_ = 	snop;
	(pc) =	sbr.rel @!p1 .LBB2_24-.Ltmp11, $1  }
0x23d: {  	_ =	sdelay $0x3  }
0x23e: {  	s7 =	sld [smem:$0x7F5]  }
0x23f: {  	s12 =	sld [smem:$0x7F6]  }
0x240: {  	s14 =	sld [smem:$0x7F7]  }
0x241: {  	s6 =	simm.s32 $0x1;
	s31 =	sld [smem:$0x7F8];
	p1 =	seq.s32 s7, $0x1  }
0x242: {  	s8 =	sld [smem:$0x7F9];
	s6 =	simm.s32 @!p1 $0x0;
	p1 =	seq.s32 s12, $0x1  }
0x243: {  	s9 =	sld [smem:$0x7FA];
	s6 =	simm.s32 @p1 $0x2;
	p1 =	seq.s32 s14, $0x1  }
0x244: {  	s10 =	sld [smem:$0x7FB];
	s6 =	simm.s32 @p1 $0x3;
	p1 =	seq.s32 s31, $0x1  }
0x245: {  	s11 =	sld [smem:$0x7FC];
	s6 =	simm.s32 @p1 $0x4;
	p1 =	seq.s32 s8, $0x1  }
0x246: {  	s12 =	sld [smem:$0x7FD];
	s6 =	simm.s32 @p1 $0x5;
	p1 =	seq.s32 s9, $0x1  }
0x247: {  	s6 =	simm.s32 @p1 $0x6;
	p1 =	seq.s32 s10, $0x1  }
0x248: {  	s6 =	simm.s32 @p1 $0x7;
	p1 =	seq.s32 s11, $0x1  }
0x249: {  	s6 =	simm.s32 @p1 $0x8;
	p1 =	seq.s32 s12, $0x1  }
0x24a: {  	s6 =	simm.s32 @p1 $0x9  }
0x24b: {  	s6 =	simm.s32 @p2 $0xA  }
0x24c: {  	s6 =	simm.s32 @p3 $0xB  }
0x24d: {  	s6 =	simm.s32 @p4 $0xC  }
0x24e: {  	s6 =	simm.s32 @p5 $0xD  }
0x24f: {  	s6 =	simm.s32 @p6 $0xE  }
0x250: {  	s6 =	simm.s32 @p0 $0xF  }
0x251: {  	s6 =	sshll.u32 s6, $0x7  }
0x252: {  	v4 =	vor.u32 s6, v2;
	_ =	sdelay $0x4  }
0x253: {  	v6 =	vld.idx.msk [tilespmem:v4+s28+$0x0], $0xffff;
	_ =	sdelay $0x4  }
0x254: {  	s14 =	sshll.u32 s30, $0x9;
	v4 =	vsel vm1, $0x0, v6  }
0x255: {  	s31 =	sshra.s32 s14, $0x2;
	v4 =	vsel vm5, s5, v4  }
0x256: {  	s7 =	simm.s32 $0x0;
	[tilespmem:s31+$0x5680] =	vst v4  }
0x257: {  	v9 =	vld [tilespmem:s7+$0x2800]  }
0x258: {  	v10 =	vld [tilespmem:s7+$0x2D00]  }
0x259: {  	v11 =	vld [tilespmem:s7+$0x3200]  }
0x25a: {  	v12 =	vld [tilespmem:s7+$0x3700];
	_ =	sdelay $0x1  }
0x25b: {  	v8 =	vbroadcast v6, $0x1;
	v7 =	vbroadcast v6, $0x3  }
0x25c: {  	v5 =	vbroadcast v6, $0x2;
	s5 =	simm.s32 $0x10;
	v4 =	vbroadcast v6, $0x4;
	v13 =	vld [tilespmem:s7+$0x3C00]  }
0x25d: {  	v14 =	vld [tilespmem:s5+$0x2800];
	v9 =	vmax.f32 v9, v8  }
0x25e: {  	v15 =	vld [tilespmem:s5+$0x2D00];
	v11 =	vmin.f32 v11, v7;
	v10 =	vmax.f32 v10, v5;
	v12 =	vmin.f32 v12, v4  }
0x25f: {  	v9 =	vsub.f32 v11, v9;
	v10 =	vsub.f32 v12, v10;
	v11 =	vld [tilespmem:s5+$0x3200]  }
0x260: {  	v12 =	vld [tilespmem:s5+$0x3700]  }
0x261: {  	v9 =	vmax.f32 v9, $0.0e+00;
	v10 =	vmax.f32 v10, $0.0e+00  }
0x262: {  	s6 =	simm.s32 $0x20;
	v16 =	vmul.f32 v10, v9  }
0x263: {  	v6 =	vbroadcast v6, $0x5;
	v17 =	vld [tilespmem:s6+$0x2800]  }
0x264: {  	v18 =	vld [tilespmem:s6+$0x3200];
	v9 =	vsub.f32 v13, v16;
	v13 =	vmax.f32 v14, v8;
	v11 =	vmin.f32 v11, v7  }
0x265: {  	v15 =	vmax.f32 v15, v5;
	v10 =	vld [tilespmem:s5+$0x3C00];
	v12 =	vmin.f32 v12, v4;
	v11 =	vsub.f32 v11, v13  }
0x266: {  	v14 =	vld [tilespmem:s6+$0x2D00];
	v12 =	vsub.f32 v12, v15;
	v9 =	vadd.f32 v9, v6  }
0x267: {  	v13 =	vld [tilespmem:s6+$0x3700]  }
0x268: {  	(erf) = vrcp.f32 v9;
	v9 =	vmax.f32 v11, $0.0e+00;
	v11 =	vmax.f32 v12, $0.0e+00  }
0x269: {  	s8 =	simm.s32 $0x30;
	v9 =	vmul.f32 v11, v9  }
0x26a: {  	v19 =	vld [tilespmem:s8+$0x3700]  }
0x26b: {  	v15 =	vld [tilespmem:s8+$0x2800];
	v12 =	vmax.f32 v17, v8;
	v17 =	vmin.f32 v18, v7;
	v10 =	vsub.f32 v10, v9  }
0x26c: {  	v11 =	vld [tilespmem:s6+$0x3C00];
	v14 =	vmax.f32 v14, v5;
	v12 =	vsub.f32 v17, v12;
	v13 =	vmin.f32 v13, v4  }
0x26d: {  	v17 =	vld [tilespmem:s8+$0x3200];
	v13 =	vsub.f32 v13, v14;
	v20 =	vadd.f32 v10, v6  }
0x26e: {  	v18 =	vld [tilespmem:s8+$0x2D00]  }
0x26f: {  	v10 =	vmax.f32 v12, $0.0e+00;
	v12 =	vmax.f32 v13, $0.0e+00;
	(erf) = vrcp.f32 v20  }
0x270: {  	v14 =	vld [tilespmem:s7+$0x4100];
	v10 =	vmul.f32 v12, v10  }
0x271: {  	s9 =	simm.s32 $0x40;
	v15 =	vmax.f32 v15, v8;
	v13 =	vld [tilespmem:s8+$0x3C00];
	v20 =	vpop (erf)  }
0x272: {  	v12 =	vld [tilespmem:s9+$0x2800];
	v17 =	vmin.f32 v17, v7;
	v21 =	vsub.f32 v11, v10;
	v20 =	vmul.f32 v20, v16  }
0x273: {  	v19 =	vmin.f32 v19, v4;
	v18 =	vmax.f32 v18, v5;
	v11 =	vld [tilespmem:s9+$0x2D00];
	v16 =	vsub.f32 v17, v15  }
0x274: {  	s10 =	simm.s32 $0x140;
	v15 =	vld [tilespmem:s9+$0x3200];
	v17 =	vsub.f32 v19, v18;
	v18 =	vadd.f32 v21, v6;
	vm5 =	vle.f32 v20, $3.000000120e-01  }
.LBB2_22:
0x275: {  	p0 =	sne.s32 s10, $0x13C0;
	v19 =	vld [tilespmem:s9+$0x3700];
	v14 =	vnsel vm5, $0xBF800000, v14  }
0x276: {  	v16 =	vmax.f32 v16, $0.0e+00;
	v17 =	vmax.f32 v17, $0.0e+00;
	(erf) = vrcp.f32 v18;
	[tilespmem:s7+$0x4100] =	vst v14;
	v18 =	vmovc v13;
	s7 =	smov.u32 s5;
	s5 =	smov.u32 s6;
	s6 =	smov.u32 s8  }
.Ltmp12:
0x277: {  	s8 =	smov.u32 s9;
	v17 =	vmul.f32 v17, v16;
	v14 =	vld [tilespmem:s7+$0x4100];
	(pc) =	sbr.rel @p0 .LBB2_22-.Ltmp12, $4  }
0x278: {  	s9 =	sshra.s32 s10, $0x2;
	v16 =	vmax.f32 v12, v8;
	v13 =	vld [tilespmem:s8+$0x3C00];
	v20 =	vpop (erf)  }
0x279: {  	v12 =	vld [tilespmem:s9+$0x2800];
	v15 =	vmin.f32 v15, v7;
	v18 =	vsub.f32 v18, v17;
	v20 =	vmul.f32 v20, v9;
	v9 =	vmovc v10  }
0x27a: {  	v21 =	vmax.f32 v11, v5;
	v10 =	vmovc v17;
	v11 =	vld [tilespmem:s9+$0x2D00];
	v19 =	vmin.f32 v19, v4;
	v16 =	vsub.f32 v15, v16  }
0x27b: {  	s10 =	sadd.s32 $0x40, s10;
	v15 =	vld [tilespmem:s9+$0x3200];
	v17 =	vsub.f32 v19, v21;
	v18 =	vadd.f32 v18, v6;
	vm5 =	vle.f32 v20, $3.000000120e-01  }
0x27c: {  	v19 =	vld [tilespmem:s9+$0x3700];
	v14 =	vnsel vm5, $0xBF800000, v14  }
0x27d: {  	v16 =	vmax.f32 v16, $0.0e+00;
	v17 =	vmax.f32 v17, $0.0e+00;
	(erf) = vrcp.f32 v18;
	[tilespmem:s7+$0x4100] =	vst v14  }
0x27e: {  	v56 =	vmul.f32 v17, v16;
	v57 =	vld [tilespmem:s5+$0x4100]  }
0x27f: {  	v8 =	vmax.f32 v12, v8;
	v58 =	vpop (erf)  }
0x280: {  	v7 =	vmin.f32 v15, v7;
	v13 =	vsub.f32 v13, v56;
	v9 =	vmul.f32 v58, v9  }
0x281: {  	v5 =	vmax.f32 v11, v5;
	v4 =	vmin.f32 v19, v4;
	v7 =	vsub.f32 v7, v8  }
0x282: {  	v59 =	vld [tilespmem:s9+$0x3C00];
	v4 =	vsub.f32 v4, v5;
	v5 =	vadd.f32 v13, v6;
	vm5 =	vle.f32 v9, $3.000000120e-01  }
0x283: {  	v9 =	vnsel vm5, $0xBF800000, v57  }
0x284: {  	v7 =	vmax.f32 v7, $0.0e+00;
	v4 =	vmax.f32 v4, $0.0e+00;
	(erf) = vrcp.f32 v5;
	[tilespmem:s5+$0x4100] =	vst v9  }
0x285: {  	v4 =	vmul.f32 v4, v7;
	v5 =	vld [tilespmem:s6+$0x4100]  }
0x286: {  	v60 =	vpop (erf)  }
0x287: {  	v8 =	vsub.f32 v59, v4;
	v7 =	vmul.f32 v60, v10;
	_ =	sdelay $0x1  }
0x288: {  	v61 =	vadd.f32 v8, v6;
	vm5 =	vle.f32 v7, $3.000000120e-01  }
0x289: {  	v5 =	vnsel vm5, $0xBF800000, v5  }
0x28a: {  	(erf) = vrcp.f32 v61;
	[tilespmem:s6+$0x4100] =	vst v5  }
0x28b: {  	v5 =	vld [tilespmem:s8+$0x4100]  }
0x28c: {  	v62 =	vpop (erf)  }
0x28d: {  	v6 =	vmul.f32 v62, v56;
	_ =	sdelay $0x1  }
0x28e: {  	vm5 =	vle.f32 v6, $3.000000120e-01  }
0x28f: {  	v5 =	vnsel vm5, $0xBF800000, v5  }
0x290: {  	[tilespmem:s8+$0x4100] =	vst v5  }
0x291: {  	v5 =	vld [tilespmem:s9+$0x4100]  }
0x292: {  	p0 =	slt.u32 s30, $0x2ED;
	v63 =	vpop (erf)  }
.Ltmp13:
0x293: {  	v4 =	vmul.f32 v63, v4;
	(pc) =	sbr.rel @p0 .LBB2_18-.Ltmp13, $4  }
.Ltmp14:
0x294: {  	_ = 	snop;
	(pc) =	sbr.rel @!p0 .LBB2_24-.Ltmp14, $4  }
0x295: {  	vm5 =	vle.f32 v4, $3.000000120e-01  }
0x296: {  	s31 =	sadd.s32 $0x1, s30;
	v4 =	vnsel vm5, $0xBF800000, v5  }
0x297: {  	s30 =	smov.u32 s31;
	[tilespmem:s9+$0x4100] =	vst v4  }
0x298: {  	_ = 	snop  }
.LBB2_25:
0x299: {  	_ =	sfence.sel $0x180000  }
0x29a: {  	[bflag:$0x0] =	sbarrier.arrive $0xFFFF  }
0x29b: {  	_ =	strace $0x90000047  }
0x29c: {  	[bflag:$0x2] =	sbarrier.arrive $0xFFFF  }
0x29d: {  	p0 =	sne.s32 s1, $0x0;
	s0 =	rddreg [dreg:$0x2]  }
0x29e: {  	s0 =	sadd.s32 @!p0 $0x100000, s0  }
0x29f: {  	[sflag:s0] =	ssyncadd.tile.s32 @!p0 $0x1;
	_ =	shalt  }
.Lfunc_end2:
_tile_overlayer_lowered:
.L_overlay_start_2:
0x2a0: {  	(tag) =	ssettag $0x2  }
0x2a1: {  	s0 =	rddreg [dreg:$0x0];
	s2 =	stileid.u32  }
0x2a2: {  	s1 =	rddreg [dreg:$0x1];
	p0 =	sne.s32 s2, $0x0  }
0x2a3: {  	s3 =	rddreg [dreg:$0x2];
	[bflag:$0x3] =	sbarrier.arrive $0xFFFF;
	s2 =	simm.s32 @!p0 $0x1C01  }
0x2a4: {  	[timem:s3], [sflag:s2] =	dma.local @!p0 [hbm:s0], s1  }
0x2a5: {  	s0 =	simm.s32 @!p0 $0x1  }
0x2a6: {  	_ =	swait.ge @!p0 [sflag:s0], s1  }
0x2a7: {  	s1 =	ssub.s32 @!p0 $0x0, s1;
	[sflag:s0] =	ssyncset.done @!p0 $0x0  }
0x2a8: {  	[sflag:s0] =	ssyncadd.s32 @!p0 s1  }
0x2a9: {  	[bflag:$0x3] =	sbarrier.arrive $0xFFFF  }
0x2aa: {  	_ =	shalt  }

</sc_bundles>
